<compile_context>
chip_gen: v7x
topology: tpu7x:2x2x1
jax: 0.10.2.dev20260603
libtpu: 0.0.44.dev20260713+nightly
codegen_flags: <defaults>
</compile_context>

<pallas_src>
import functools

import jax
import jax.numpy as jnp
from jax import lax
from jax.experimental import pallas as pl
from jax.experimental.pallas import tpu as pltpu
from jax.experimental.pallas import tpu_sc as plsc

N, E, D, H, C, G = 10000, 320000, 128, 32, 2, 64

R = 2504
M = 4 * R
Q3 = N - 3 * R

NC, NS = 2, 16
NW = NC * NS
K = 80
NB = 5
CH = E // (NW * K)


def _segsum_body(y_hbm, eidx_hbm, zeros_hbm, out_hbm,
                 src_v, dst_v, rows_v, acc, y_sh, gsems, ssems):
    c = lax.axis_index("c")
    s = lax.axis_index("s")
    wid = s * NC + c

    @pl.when(s == 0)
    def _zero():
        pltpu.sync_copy(zeros_hbm, acc)

    @pl.when(s == 1)
    def _stage():
        pltpu.sync_copy(y_hbm, y_sh)

    plsc.subcore_barrier()

    pltpu.sync_copy(eidx_hbm.at[0, wid], src_v)
    pltpu.sync_copy(eidx_hbm.at[1, wid], dst_v)

    for b in range(NB):
        pltpu.async_copy(y_sh.at[src_v.at[b]], rows_v.at[b], gsems[b])

    def body(g, carry):
        for b in range(NB):
            j = g * NB + b
            bp = (b - 1) % NB
            jp = j - 1

            @pl.when(jnp.logical_and(jp >= 0, jp + NB < CH))
            def _refill():
                pltpu.make_async_copy(rows_v.at[bp], acc.at[dst_v.at[jp]],
                                      ssems[bp]).wait()
                pltpu.async_copy(y_sh.at[src_v.at[jp + NB]], rows_v.at[bp],
                                 gsems[bp])

            pltpu.make_async_copy(y_sh.at[src_v.at[j]], rows_v.at[b],
                                  gsems[b]).wait()
            pltpu.async_copy(rows_v.at[b], acc.at[dst_v.at[j]], ssems[b],
                             add=True)
        return carry

    lax.fori_loop(0, CH // NB, body, 0)
    for b in range(NB):
        j = CH - NB + b
        pltpu.make_async_copy(rows_v.at[b], acc.at[dst_v.at[j]],
                              ssems[b]).wait()

    plsc.subcore_barrier()

    @pl.when(s == 0)
    def _writeout():
        pltpu.sync_copy(acc, out_hbm.at[c])


_segsum = functools.partial(
    pl.kernel,
    out_type=jax.ShapeDtypeStruct((2, M, H), jnp.float32),
    mesh=plsc.VectorSubcoreMesh(core_axis_name="c", subcore_axis_name="s",
                                num_cores=NC, num_subcores=NS),
    compiler_params=pltpu.CompilerParams(use_tc_tiling_on_sc=False),
    scratch_types=[
        pltpu.VMEM((CH, K), jnp.int32),
        pltpu.VMEM((CH, K), jnp.int32),
        pltpu.VMEM((NB, K, H), jnp.float32),
        pltpu.VMEM_SHARED((M, H), jnp.float32),
        pltpu.VMEM_SHARED((M, H), jnp.float32),
        [pltpu.SemaphoreType.DMA] * NB,
        [pltpu.SemaphoreType.DMA] * NB,
    ],
)(_segsum_body)


def _proj_body(x_ref, w_ref, o_ref):
    for q in range(3):
        xq = x_ref[pl.ds(q * R, R), :]
        o_ref[:, pl.ds(32 * q, 32)] = jnp.dot(
            xq, w_ref[...], preferred_element_type=jnp.float32)
    x3 = x_ref[pl.ds(3 * R, Q3), :]
    y3 = jnp.dot(x3, w_ref[...], preferred_element_type=jnp.float32)
    o_ref[pl.ds(0, Q3), pl.ds(96, 32)] = y3
    o_ref[pl.ds(Q3, R - Q3), pl.ds(96, 32)] = jnp.zeros(
        (R - Q3, 32), jnp.float32)


def _fuse1_body(p_ref, y_ref, b1a_ref, w1b_ref, b1b_ref, w2a_ref, o_ref):
    t = jnp.maximum(p_ref[0] + p_ref[1] + y_ref[...] + b1a_ref[...], 0.0)
    h = jnp.maximum(
        jnp.dot(t, w1b_ref[...], preferred_element_type=jnp.float32)
        + b1b_ref[...], 0.0)
    o_ref[...] = jnp.dot(h, w2a_ref[...], preferred_element_type=jnp.float32)


def _fuse2_body(p_ref, y_ref, b2a_ref, w2b_ref, b2b_ref, batchp_ref,
                wfc_ref, bfc_ref, o_ref):
    t = jnp.maximum(p_ref[0] + p_ref[1] + y_ref[...] + b2a_ref[...], 0.0)
    h = jnp.maximum(
        jnp.dot(t, w2b_ref[...], preferred_element_type=jnp.float32)
        + b2b_ref[...], 0.0)
    sums = jnp.zeros((G, H), jnp.float32)
    counts = jnp.zeros((G, 1), jnp.float32)
    ones = jnp.ones((R, 1), jnp.float32)
    for q in range(4):
        bq = batchp_ref[pl.ds(q, 1), :]
        pq = (bq == lax.broadcasted_iota(jnp.int32, (G, R), 0)
              ).astype(jnp.float32)
        hq = h[:, 32 * q:32 * (q + 1)]
        sums = sums + jnp.dot(pq, hq, preferred_element_type=jnp.float32)
        counts = counts + jnp.dot(pq, ones,
                                  preferred_element_type=jnp.float32)
    g = sums / jnp.maximum(counts, 1.0)
    o_ref[...] = (jnp.dot(g, wfc_ref[...], preferred_element_type=jnp.float32)
                  + bfc_ref[...])


def _block_diag4(w):
    d0, d1 = w.shape
    z = jnp.zeros((d0, d1), w.dtype)
    rows = [jnp.concatenate([w if i == q else z for i in range(4)], axis=1)
            for q in range(4)]
    return jnp.concatenate(rows, axis=0)


def kernel(x, edge_index, batch, W1a, b1a, W1b, b1b, W2a, b2a, W2b, b2b,
           Wfc, bfc):
    e4 = edge_index.reshape(2, NW, CH, K)
    q = ((e4 >= R).astype(jnp.int32) + (e4 >= 2 * R).astype(jnp.int32)
         + (e4 >= 3 * R).astype(jnp.int32))
    eidx = 4 * e4 - (4 * R - 1) * q

    zeros = jnp.zeros((M, H), jnp.float32)
    batchp = jnp.pad(batch, (0, M - N), constant_values=-1).reshape(4, R)

    w1b_bd = _block_diag4(W1b)
    w2a_bd = _block_diag4(W2a)
    w2b_bd = _block_diag4(W2b)
    b1a_t = jnp.tile(b1a, 4).reshape(1, 4 * H)
    b1b_t = jnp.tile(b1b, 4).reshape(1, 4 * H)
    b2a_t = jnp.tile(b2a, 4).reshape(1, 4 * H)
    b2b_t = jnp.tile(b2b, 4).reshape(1, 4 * H)

    y1p = pl.pallas_call(
        _proj_body,
        out_shape=jax.ShapeDtypeStruct((R, 4 * H), jnp.float32),
    )(x, W1a)

    p1 = _segsum(y1p.reshape(M, H), eidx, zeros)

    y2p = pl.pallas_call(
        _fuse1_body,
        out_shape=jax.ShapeDtypeStruct((R, 4 * H), jnp.float32),
    )(p1.reshape(2, R, 4 * H), y1p, b1a_t, w1b_bd, b1b_t, w2a_bd)

    p2 = _segsum(y2p.reshape(M, H), eidx, zeros)

    out = pl.pallas_call(
        _fuse2_body,
        out_shape=jax.ShapeDtypeStruct((G, C), jnp.float32),
    )(p2.reshape(2, R, 4 * H), y2p, b2a_t, w2b_bd, b2b_t, batchp,
      Wfc, bfc.reshape(1, C))

    return out

# --- scband reference (transcript-rebuilt; emitter-appended) ---
"""Pipeline reference for scband-explainee-gin-84482006712598 (READ-ONLY COPY).

The authoritative reference and input builder live on the scoring server;
editing this copy changes nothing except your own understanding.
"""

import jax, jax.numpy as jnp
import numpy as np

N, E, D, H, C, G = 10000, 320000, 128, 32, 2, 64

def setup_inputs(seed: int = 0) -> dict:
    key = jax.random.key(seed)
    ks = jax.random.split(key, 16)
    x = jax.random.normal(ks[0], (N, D), dtype=jnp.float32)
    edge_index = jax.random.randint(ks[1], (2, E), 0, N, dtype=jnp.int32)
    batch = jnp.sort(jax.random.randint(ks[2], (N,), 0, G, dtype=jnp.int32))
    s = 0.02
    W1a = jax.random.normal(ks[3], (D, H), dtype=jnp.float32) * s
    b1a = jnp.zeros((H,), dtype=jnp.float32)
    W1b = jax.random.normal(ks[4], (H, H), dtype=jnp.float32) * s
    b1b = jnp.zeros((H,), dtype=jnp.float32)
    W2a = jax.random.normal(ks[5], (H, H), dtype=jnp.float32) * s
    b2a = jnp.zeros((H,), dtype=jnp.float32)
    W2b = jax.random.normal(ks[6], (H, H), dtype=jnp.float32) * s
    b2b = jnp.zeros((H,), dtype=jnp.float32)
    Wfc = jax.random.normal(ks[7], (H, C), dtype=jnp.float32) * s
    bfc = jnp.zeros((C,), dtype=jnp.float32)
    return {"x": x, "edge_index": edge_index, "batch": batch,
            "W1a": W1a, "b1a": b1a, "W1b": W1b, "b1b": b1b,
            "W2a": W2a, "b2a": b2a, "W2b": W2b, "b2b": b2b,
            "Wfc": Wfc, "bfc": bfc}

def _gin_layer(h, src, dst, Wa, ba, Wb, bb):
    # GINConv with eps=0: mlp((1+eps)*x + sum_{j->i} x_j)
    agg = jax.ops.segment_sum(h[src], dst, num_segments=N)
    z = agg + h
    z = jnp.maximum(z @ Wa + ba, 0.0)
    z = z @ Wb + bb
    # outer F.relu in forward; dropout is identity in eval mode
    return jnp.maximum(z, 0.0)

def reference(x, edge_index, batch, W1a, b1a, W1b, b1b, W2a, b2a, W2b, b2b, Wfc, bfc):
    src = edge_index[0]
    dst = edge_index[1]
    h = _gin_layer(x, src, dst, W1a, b1a, W1b, b1b)
    h = _gin_layer(h, src, dst, W2a, b2a, W2b, b2b)
    # global_mean_pool over graph ids
    sums = jax.ops.segment_sum(h, batch, num_segments=G)
    counts = jax.ops.segment_sum(jnp.ones((N,), dtype=jnp.float32), batch, num_segments=G)
    g_emb = sums / jnp.maximum(counts, 1.0)[:, None]
    out = g_emb @ Wfc + bfc
    return out

if __name__ == "__main__":
    import jax
    _d = setup_inputs()
    print(jax.jit(kernel)(*tuple(_d.values())))

</pallas_src>

<mosaic_0001>
#map = affine_map<(d0, d1) -> (0, 0)>
#map1 = affine_map<(d0, d1) -> (0, 0, 0, 0)>
#map2 = affine_map<(d0, d1) -> (0, 0, 0)>
module attributes {stable_mosaic.version = 14 : i64} {
  func.func @_segsum_body(%arg0: i32, %arg1: i32, %arg2: memref<10016x32xf32, #tpu.memory_space<hbm>>, %arg3: memref<2x32x125x80xi32, #tpu.memory_space<hbm>>, %arg4: memref<10016x32xf32, #tpu.memory_space<hbm>>, %arg5: memref<2x10016x32xf32, #tpu.memory_space<hbm>>, %arg6: memref<125x80xi32, #tpu.memory_space<vmem>>, %arg7: memref<125x80xi32, #tpu.memory_space<vmem>>, %arg8: memref<5x80x32xf32, #tpu.memory_space<vmem>>, %arg9: memref<10016x32xf32, #tpu.memory_space<vmem_shared>>, %arg10: memref<10016x32xf32, #tpu.memory_space<vmem_shared>>, %arg11: memref<!tpu.dma_semaphore, #tpu.memory_space<semaphore_mem>>, %arg12: memref<!tpu.dma_semaphore, #tpu.memory_space<semaphore_mem>>, %arg13: memref<!tpu.dma_semaphore, #tpu.memory_space<semaphore_mem>>, %arg14: memref<!tpu.dma_semaphore, #tpu.memory_space<semaphore_mem>>, %arg15: memref<!tpu.dma_semaphore, #tpu.memory_space<semaphore_mem>>, %arg16: memref<!tpu.dma_semaphore, #tpu.memory_space<semaphore_mem>>, %arg17: memref<!tpu.dma_semaphore, #tpu.memory_space<semaphore_mem>>, %arg18: memref<!tpu.dma_semaphore, #tpu.memory_space<semaphore_mem>>, %arg19: memref<!tpu.dma_semaphore, #tpu.memory_space<semaphore_mem>>, %arg20: memref<!tpu.dma_semaphore, #tpu.memory_space<semaphore_mem>>) attributes {dimension_semantics = [#tpu.dimension_semantics<core_parallel>, #tpu.dimension_semantics<subcore_parallel>], iteration_bounds = array<i64: 2, 16>, scalar_prefetch = 0 : i64, scratch_operands = 15 : i64, tpu.core_type = #tpu.core_type<sc_vector_subcore>, window_params = [{transform_indices = #map}, {transform_indices = #map1}, {transform_indices = #map}, {transform_indices = #map2}]} {
    %mul3A = arith.constant 2 : i32
    %mul3A_0 = arith.muli %arg1, %mul3A : i32
    %add3A = arith.addi %mul3A_0, %arg0 : i32
    %eq3A = arith.constant 0 : i32
    %eq3A_1 = arith.cmpi eq, %arg1, %eq3A : i32
    %convert_element_type3A = arith.extui %eq3A_1 : i1 to i32
    %cond3A = arith.constant 0 : i32
    %cond3A_2 = arith.cmpi ne, %convert_element_type3A, %cond3A : i32
    scf.if %cond3A_2 {
      "tpu.region"() ({
        %run_scoped3A_138 = tpu.sem_alloc : memref<!tpu.dma_semaphore, #tpu.memory_space<semaphore_mem>>
        tpu.enqueue_dma source(%arg4 : memref<10016x32xf32, #tpu.memory_space<hbm>>) target(%arg9 : memref<10016x32xf32, #tpu.memory_space<vmem_shared>>) target_semaphore(%run_scoped3A_138 : memref<!tpu.dma_semaphore, #tpu.memory_space<semaphore_mem>>)
        tpu.wait_dma2 semaphore(%run_scoped3A_138 : memref<!tpu.dma_semaphore, #tpu.memory_space<semaphore_mem>>) src(%arg4 : memref<10016x32xf32, #tpu.memory_space<hbm>>) dst(%arg9 : memref<10016x32xf32, #tpu.memory_space<vmem_shared>>)
        tpu.yield
      }) : () -> ()
    } else {
    }
    %eq3A_3 = arith.constant 1 : i32
    %eq3A_4 = arith.cmpi eq, %arg1, %eq3A_3 : i32
    %convert_element_type3A_5 = arith.extui %eq3A_4 : i1 to i32
    %cond3A_6 = arith.constant 0 : i32
    %cond3A_7 = arith.cmpi ne, %convert_element_type3A_5, %cond3A_6 : i32
    scf.if %cond3A_7 {
      "tpu.region"() ({
        %run_scoped3A_138 = tpu.sem_alloc : memref<!tpu.dma_semaphore, #tpu.memory_space<semaphore_mem>>
        tpu.enqueue_dma source(%arg2 : memref<10016x32xf32, #tpu.memory_space<hbm>>) target(%arg10 : memref<10016x32xf32, #tpu.memory_space<vmem_shared>>) target_semaphore(%run_scoped3A_138 : memref<!tpu.dma_semaphore, #tpu.memory_space<semaphore_mem>>)
        tpu.wait_dma2 semaphore(%run_scoped3A_138 : memref<!tpu.dma_semaphore, #tpu.memory_space<semaphore_mem>>) src(%arg2 : memref<10016x32xf32, #tpu.memory_space<hbm>>) dst(%arg10 : memref<10016x32xf32, #tpu.memory_space<vmem_shared>>)
        tpu.yield
      }) : () -> ()
    } else {
    }
    %barrier3A = arith.constant 0 : index
    tpu.barrier barrier_id(%barrier3A)
    %run_scoped3A = arith.constant 0 : i32
    "tpu.region"() ({
      %run_scoped3A_138 = tpu.sem_alloc : memref<!tpu.dma_semaphore, #tpu.memory_space<semaphore_mem>>
      %dma_start3A_139 = arith.constant 0 : i32
      %dma_start3A_140 = arith.constant 0 : i32
      %dma_start3A_141 = tpu.memref_slice %arg3[%run_scoped3A, %add3A, %dma_start3A_139, %dma_start3A_140] : memref<2x32x125x80xi32, #tpu.memory_space<hbm>> -> memref<1x1x125x80xi32, #tpu.memory_space<hbm>>
      %dma_start3A_142 = tpu.memref_squeeze %dma_start3A_141 : memref<1x1x125x80xi32, #tpu.memory_space<hbm>> -> memref<125x80xi32, #tpu.memory_space<hbm>>
      %dma_start3A_143 = arith.constant 0 : i32
      %dma_start3A_144 = arith.constant 0 : i32
      %dma_start3A_145 = tpu.memref_slice %arg3[%run_scoped3A, %add3A, %dma_start3A_143, %dma_start3A_144] : memref<2x32x125x80xi32, #tpu.memory_space<hbm>> -> memref<1x1x125x80xi32, #tpu.memory_space<hbm>>
      %dma_start3A_146 = tpu.memref_squeeze %dma_start3A_145 : memref<1x1x125x80xi32, #tpu.memory_space<hbm>> -> memref<125x80xi32, #tpu.memory_space<hbm>>
      tpu.enqueue_dma source(%dma_start3A_146 : memref<125x80xi32, #tpu.memory_space<hbm>>) target(%arg6 : memref<125x80xi32, #tpu.memory_space<vmem>>) target_semaphore(%run_scoped3A_138 : memref<!tpu.dma_semaphore, #tpu.memory_space<semaphore_mem>>)
      %dma_wait3A_147 = arith.constant 0 : i32
      %dma_wait3A_148 = arith.constant 0 : i32
      %dma_wait3A_149 = tpu.memref_slice %arg3[%run_scoped3A, %add3A, %dma_wait3A_147, %dma_wait3A_148] : memref<2x32x125x80xi32, #tpu.memory_space<hbm>> -> memref<1x1x125x80xi32, #tpu.memory_space<hbm>>
      %dma_wait3A_150 = tpu.memref_squeeze %dma_wait3A_149 : memref<1x1x125x80xi32, #tpu.memory_space<hbm>> -> memref<125x80xi32, #tpu.memory_space<hbm>>
      %dma_wait3A_151 = arith.constant 0 : i32
      %dma_wait3A_152 = arith.constant 0 : i32
      %dma_wait3A_153 = tpu.memref_slice %arg3[%run_scoped3A, %add3A, %dma_wait3A_151, %dma_wait3A_152] : memref<2x32x125x80xi32, #tpu.memory_space<hbm>> -> memref<1x1x125x80xi32, #tpu.memory_space<hbm>>
      %dma_wait3A_154 = tpu.memref_squeeze %dma_wait3A_153 : memref<1x1x125x80xi32, #tpu.memory_space<hbm>> -> memref<125x80xi32, #tpu.memory_space<hbm>>
      tpu.wait_dma2 semaphore(%run_scoped3A_138 : memref<!tpu.dma_semaphore, #tpu.memory_space<semaphore_mem>>) src(%dma_wait3A_154 : memref<125x80xi32, #tpu.memory_space<hbm>>) dst(%arg6 : memref<125x80xi32, #tpu.memory_space<vmem>>)
      tpu.yield
    }) : () -> ()
    %run_scoped3A_8 = arith.constant 1 : i32
    "tpu.region"() ({
      %run_scoped3A_138 = tpu.sem_alloc : memref<!tpu.dma_semaphore, #tpu.memory_space<semaphore_mem>>
      %dma_start3A_139 = arith.constant 0 : i32
      %dma_start3A_140 = arith.constant 0 : i32
      %dma_start3A_141 = tpu.memref_slice %arg3[%run_scoped3A_8, %add3A, %dma_start3A_139, %dma_start3A_140] : memref<2x32x125x80xi32, #tpu.memory_space<hbm>> -> memref<1x1x125x80xi32, #tpu.memory_space<hbm>>
      %dma_start3A_142 = tpu.memref_squeeze %dma_start3A_141 : memref<1x1x125x80xi32, #tpu.memory_space<hbm>> -> memref<125x80xi32, #tpu.memory_space<hbm>>
      %dma_start3A_143 = arith.constant 0 : i32
      %dma_start3A_144 = arith.constant 0 : i32
      %dma_start3A_145 = tpu.memref_slice %arg3[%run_scoped3A_8, %add3A, %dma_start3A_143, %dma_start3A_144] : memref<2x32x125x80xi32, #tpu.memory_space<hbm>> -> memref<1x1x125x80xi32, #tpu.memory_space<hbm>>
      %dma_start3A_146 = tpu.memref_squeeze %dma_start3A_145 : memref<1x1x125x80xi32, #tpu.memory_space<hbm>> -> memref<125x80xi32, #tpu.memory_space<hbm>>
      tpu.enqueue_dma source(%dma_start3A_146 : memref<125x80xi32, #tpu.memory_space<hbm>>) target(%arg7 : memref<125x80xi32, #tpu.memory_space<vmem>>) target_semaphore(%run_scoped3A_138 : memref<!tpu.dma_semaphore, #tpu.memory_space<semaphore_mem>>)
      %dma_wait3A_147 = arith.constant 0 : i32
      %dma_wait3A_148 = arith.constant 0 : i32
      %dma_wait3A_149 = tpu.memref_slice %arg3[%run_scoped3A_8, %add3A, %dma_wait3A_147, %dma_wait3A_148] : memref<2x32x125x80xi32, #tpu.memory_space<hbm>> -> memref<1x1x125x80xi32, #tpu.memory_space<hbm>>
      %dma_wait3A_150 = tpu.memref_squeeze %dma_wait3A_149 : memref<1x1x125x80xi32, #tpu.memory_space<hbm>> -> memref<125x80xi32, #tpu.memory_space<hbm>>
      %dma_wait3A_151 = arith.constant 0 : i32
      %dma_wait3A_152 = arith.constant 0 : i32
      %dma_wait3A_153 = tpu.memref_slice %arg3[%run_scoped3A_8, %add3A, %dma_wait3A_151, %dma_wait3A_152] : memref<2x32x125x80xi32, #tpu.memory_space<hbm>> -> memref<1x1x125x80xi32, #tpu.memory_space<hbm>>
      %dma_wait3A_154 = tpu.memref_squeeze %dma_wait3A_153 : memref<1x1x125x80xi32, #tpu.memory_space<hbm>> -> memref<125x80xi32, #tpu.memory_space<hbm>>
      tpu.wait_dma2 semaphore(%run_scoped3A_138 : memref<!tpu.dma_semaphore, #tpu.memory_space<semaphore_mem>>) src(%dma_wait3A_154 : memref<125x80xi32, #tpu.memory_space<hbm>>) dst(%arg7 : memref<125x80xi32, #tpu.memory_space<vmem>>)
      tpu.yield
    }) : () -> ()
    %dma_start3A = arith.constant 0 : i32
    %dma_start3A_9 = arith.constant 0 : i32
    %dma_start3A_10 = arith.constant 0 : i32
    %dma_start3A_11 = arith.constant 0 : i32
    %dma_start3A_12 = tpu.memref_slice %arg8[%dma_start3A_9, %dma_start3A_10, %dma_start3A_11] : memref<5x80x32xf32, #tpu.memory_space<vmem>> -> memref<1x80x32xf32, #tpu.memory_space<vmem>>
    %dma_start3A_13 = tpu.memref_squeeze %dma_start3A_12 : memref<1x80x32xf32, #tpu.memory_space<vmem>> -> memref<80x32xf32, #tpu.memory_space<vmem>>
    %dma_start3A_14 = arith.constant 0 : i32
    %dma_start3A_15 = tpu.memref_slice %arg6[%dma_start3A, %dma_start3A_14] : memref<125x80xi32, #tpu.memory_space<vmem>> -> memref<1x80xi32, #tpu.memory_space<vmem>>
    %dma_start3A_16 = tpu.memref_squeeze %dma_start3A_15 : memref<1x80xi32, #tpu.memory_space<vmem>> -> memref<80xi32, #tpu.memory_space<vmem>>
    %dma_start3A_17 = arith.constant 0 : i32
    %dma_start3A_18 = arith.constant 0 : i32
    %dma_start3A_19 = tpu.memref_slice %arg10[%dma_start3A_17, %dma_start3A_18] : memref<10016x32xf32, #tpu.memory_space<vmem_shared>> -> memref<10016x32xf32, #tpu.memory_space<vmem_shared>>
    tpu.enqueue_indirect_dma source(%dma_start3A_19 : memref<10016x32xf32, #tpu.memory_space<vmem_shared>>) target(%dma_start3A_13 : memref<80x32xf32, #tpu.memory_space<vmem>>) offsets(%dma_start3A_16 : memref<80xi32, #tpu.memory_space<vmem>>) semaphore(%arg11 : memref<!tpu.dma_semaphore, #tpu.memory_space<semaphore_mem>>)
    %dma_start3A_20 = arith.constant 1 : i32
    %dma_start3A_21 = arith.constant 1 : i32
    %dma_start3A_22 = arith.constant 0 : i32
    %dma_start3A_23 = arith.constant 0 : i32
    %dma_start3A_24 = tpu.memref_slice %arg8[%dma_start3A_21, %dma_start3A_22, %dma_start3A_23] : memref<5x80x32xf32, #tpu.memory_space<vmem>> -> memref<1x80x32xf32, #tpu.memory_space<vmem>>
    %dma_start3A_25 = tpu.memref_squeeze %dma_start3A_24 : memref<1x80x32xf32, #tpu.memory_space<vmem>> -> memref<80x32xf32, #tpu.memory_space<vmem>>
    %dma_start3A_26 = arith.constant 0 : i32
    %dma_start3A_27 = tpu.memref_slice %arg6[%dma_start3A_20, %dma_start3A_26] : memref<125x80xi32, #tpu.memory_space<vmem>> -> memref<1x80xi32, #tpu.memory_space<vmem>>
    %dma_start3A_28 = tpu.memref_squeeze %dma_start3A_27 : memref<1x80xi32, #tpu.memory_space<vmem>> -> memref<80xi32, #tpu.memory_space<vmem>>
    %dma_start3A_29 = arith.constant 0 : i32
    %dma_start3A_30 = arith.constant 0 : i32
    %dma_start3A_31 = tpu.memref_slice %arg10[%dma_start3A_29, %dma_start3A_30] : memref<10016x32xf32, #tpu.memory_space<vmem_shared>> -> memref<10016x32xf32, #tpu.memory_space<vmem_shared>>
    tpu.enqueue_indirect_dma source(%dma_start3A_31 : memref<10016x32xf32, #tpu.memory_space<vmem_shared>>) target(%dma_start3A_25 : memref<80x32xf32, #tpu.memory_space<vmem>>) offsets(%dma_start3A_28 : memref<80xi32, #tpu.memory_space<vmem>>) semaphore(%arg12 : memref<!tpu.dma_semaphore, #tpu.memory_space<semaphore_mem>>)
    %dma_start3A_32 = arith.constant 2 : i32
    %dma_start3A_33 = arith.constant 2 : i32
    %dma_start3A_34 = arith.constant 0 : i32
    %dma_start3A_35 = arith.constant 0 : i32
    %dma_start3A_36 = tpu.memref_slice %arg8[%dma_start3A_33, %dma_start3A_34, %dma_start3A_35] : memref<5x80x32xf32, #tpu.memory_space<vmem>> -> memref<1x80x32xf32, #tpu.memory_space<vmem>>
    %dma_start3A_37 = tpu.memref_squeeze %dma_start3A_36 : memref<1x80x32xf32, #tpu.memory_space<vmem>> -> memref<80x32xf32, #tpu.memory_space<vmem>>
    %dma_start3A_38 = arith.constant 0 : i32
    %dma_start3A_39 = tpu.memref_slice %arg6[%dma_start3A_32, %dma_start3A_38] : memref<125x80xi32, #tpu.memory_space<vmem>> -> memref<1x80xi32, #tpu.memory_space<vmem>>
    %dma_start3A_40 = tpu.memref_squeeze %dma_start3A_39 : memref<1x80xi32, #tpu.memory_space<vmem>> -> memref<80xi32, #tpu.memory_space<vmem>>
    %dma_start3A_41 = arith.constant 0 : i32
    %dma_start3A_42 = arith.constant 0 : i32
    %dma_start3A_43 = tpu.memref_slice %arg10[%dma_start3A_41, %dma_start3A_42] : memref<10016x32xf32, #tpu.memory_space<vmem_shared>> -> memref<10016x32xf32, #tpu.memory_space<vmem_shared>>
    tpu.enqueue_indirect_dma source(%dma_start3A_43 : memref<10016x32xf32, #tpu.memory_space<vmem_shared>>) target(%dma_start3A_37 : memref<80x32xf32, #tpu.memory_space<vmem>>) offsets(%dma_start3A_40 : memref<80xi32, #tpu.memory_space<vmem>>) semaphore(%arg13 : memref<!tpu.dma_semaphore, #tpu.memory_space<semaphore_mem>>)
    %dma_start3A_44 = arith.constant 3 : i32
    %dma_start3A_45 = arith.constant 3 : i32
    %dma_start3A_46 = arith.constant 0 : i32
    %dma_start3A_47 = arith.constant 0 : i32
    %dma_start3A_48 = tpu.memref_slice %arg8[%dma_start3A_45, %dma_start3A_46, %dma_start3A_47] : memref<5x80x32xf32, #tpu.memory_space<vmem>> -> memref<1x80x32xf32, #tpu.memory_space<vmem>>
    %dma_start3A_49 = tpu.memref_squeeze %dma_start3A_48 : memref<1x80x32xf32, #tpu.memory_space<vmem>> -> memref<80x32xf32, #tpu.memory_space<vmem>>
    %dma_start3A_50 = arith.constant 0 : i32
    %dma_start3A_51 = tpu.memref_slice %arg6[%dma_start3A_44, %dma_start3A_50] : memref<125x80xi32, #tpu.memory_space<vmem>> -> memref<1x80xi32, #tpu.memory_space<vmem>>
    %dma_start3A_52 = tpu.memref_squeeze %dma_start3A_51 : memref<1x80xi32, #tpu.memory_space<vmem>> -> memref<80xi32, #tpu.memory_space<vmem>>
    %dma_start3A_53 = arith.constant 0 : i32
    %dma_start3A_54 = arith.constant 0 : i32
    %dma_start3A_55 = tpu.memref_slice %arg10[%dma_start3A_53, %dma_start3A_54] : memref<10016x32xf32, #tpu.memory_space<vmem_shared>> -> memref<10016x32xf32, #tpu.memory_space<vmem_shared>>
    tpu.enqueue_indirect_dma source(%dma_start3A_55 : memref<10016x32xf32, #tpu.memory_space<vmem_shared>>) target(%dma_start3A_49 : memref<80x32xf32, #tpu.memory_space<vmem>>) offsets(%dma_start3A_52 : memref<80xi32, #tpu.memory_space<vmem>>) semaphore(%arg14 : memref<!tpu.dma_semaphore, #tpu.memory_space<semaphore_mem>>)
    %dma_start3A_56 = arith.constant 4 : i32
    %dma_start3A_57 = arith.constant 4 : i32
    %dma_start3A_58 = arith.constant 0 : i32
    %dma_start3A_59 = arith.constant 0 : i32
    %dma_start3A_60 = tpu.memref_slice %arg8[%dma_start3A_57, %dma_start3A_58, %dma_start3A_59] : memref<5x80x32xf32, #tpu.memory_space<vmem>> -> memref<1x80x32xf32, #tpu.memory_space<vmem>>
    %dma_start3A_61 = tpu.memref_squeeze %dma_start3A_60 : memref<1x80x32xf32, #tpu.memory_space<vmem>> -> memref<80x32xf32, #tpu.memory_space<vmem>>
    %dma_start3A_62 = arith.constant 0 : i32
    %dma_start3A_63 = tpu.memref_slice %arg6[%dma_start3A_56, %dma_start3A_62] : memref<125x80xi32, #tpu.memory_space<vmem>> -> memref<1x80xi32, #tpu.memory_space<vmem>>
    %dma_start3A_64 = tpu.memref_squeeze %dma_start3A_63 : memref<1x80xi32, #tpu.memory_space<vmem>> -> memref<80xi32, #tpu.memory_space<vmem>>
    %dma_start3A_65 = arith.constant 0 : i32
    %dma_start3A_66 = arith.constant 0 : i32
    %dma_start3A_67 = tpu.memref_slice %arg10[%dma_start3A_65, %dma_start3A_66] : memref<10016x32xf32, #tpu.memory_space<vmem_shared>> -> memref<10016x32xf32, #tpu.memory_space<vmem_shared>>
    tpu.enqueue_indirect_dma source(%dma_start3A_67 : memref<10016x32xf32, #tpu.memory_space<vmem_shared>>) target(%dma_start3A_61 : memref<80x32xf32, #tpu.memory_space<vmem>>) offsets(%dma_start3A_64 : memref<80xi32, #tpu.memory_space<vmem>>) semaphore(%arg15 : memref<!tpu.dma_semaphore, #tpu.memory_space<semaphore_mem>>)
    %scan3A = arith.constant 0 : i32
    %scan3A_68 = arith.constant 0 : i32
    %scan3A_69 = arith.constant 25 : i32
    %scan3A_70 = arith.addi %scan3A_68, %scan3A_69 : i32
    %scan3A_71 = arith.constant 1 : i32
    scf.for %scan3A_138 = %scan3A_68 to %scan3A_70 step %scan3A_71  : i32 {
      %mul3A_139 = arith.constant 5 : i32
      %mul3A_140 = arith.muli %scan3A_138, %mul3A_139 : i32
      %add3A_141 = arith.constant 0 : i32
      %add3A_142 = arith.addi %mul3A_140, %add3A_141 : i32
      %sub3A = arith.constant 1 : i32
      %sub3A_143 = arith.subi %add3A_142, %sub3A : i32
      %ge3A = arith.constant 0 : i32
      %ge3A_144 = arith.cmpi sge, %sub3A_143, %ge3A : i32
      %add3A_145 = arith.constant 5 : i32
      %add3A_146 = arith.addi %sub3A_143, %add3A_145 : i32
      %lt3A = arith.constant 125 : i32
      %lt3A_147 = arith.cmpi slt, %add3A_146, %lt3A : i32
      %and3A = arith.andi %ge3A_144, %lt3A_147 : i1
      %convert_element_type3A_148 = arith.extui %and3A : i1 to i32
      %cond3A_149 = arith.constant 0 : i32
      %cond3A_150 = arith.cmpi ne, %convert_element_type3A_148, %cond3A_149 : i32
      scf.if %cond3A_150 {
        %dma_wait3A_325 = arith.constant 4 : i32
        %dma_wait3A_326 = arith.constant 0 : i32
        %dma_wait3A_327 = arith.constant 0 : i32
        %dma_wait3A_328 = tpu.memref_slice %arg8[%dma_wait3A_325, %dma_wait3A_326, %dma_wait3A_327] : memref<5x80x32xf32, #tpu.memory_space<vmem>> -> memref<1x80x32xf32, #tpu.memory_space<vmem>>
        %dma_wait3A_329 = tpu.memref_squeeze %dma_wait3A_328 : memref<1x80x32xf32, #tpu.memory_space<vmem>> -> memref<80x32xf32, #tpu.memory_space<vmem>>
        %dma_wait3A_330 = arith.constant 0 : i32
        %dma_wait3A_331 = tpu.memref_slice %arg7[%sub3A_143, %dma_wait3A_330] : memref<125x80xi32, #tpu.memory_space<vmem>> -> memref<1x80xi32, #tpu.memory_space<vmem>>
        %dma_wait3A_332 = tpu.memref_squeeze %dma_wait3A_331 : memref<1x80xi32, #tpu.memory_space<vmem>> -> memref<80xi32, #tpu.memory_space<vmem>>
        %dma_wait3A_333 = arith.constant 0 : i32
        %dma_wait3A_334 = arith.constant 0 : i32
        %dma_wait3A_335 = tpu.memref_slice %arg9[%dma_wait3A_333, %dma_wait3A_334] : memref<10016x32xf32, #tpu.memory_space<vmem_shared>> -> memref<10016x32xf32, #tpu.memory_space<vmem_shared>>
        tpu.wait_indirect_dma semaphore(%arg20 : memref<!tpu.dma_semaphore, #tpu.memory_space<semaphore_mem>>) src(%dma_wait3A_329 : memref<80x32xf32, #tpu.memory_space<vmem>>) dst(%dma_wait3A_335 : memref<10016x32xf32, #tpu.memory_space<vmem_shared>>)
        %add3A_336 = arith.constant 5 : i32
        %add3A_337 = arith.addi %sub3A_143, %add3A_336 : i32
        %dma_start3A_338 = arith.constant 4 : i32
        %dma_start3A_339 = arith.constant 0 : i32
        %dma_start3A_340 = arith.constant 0 : i32
        %dma_start3A_341 = tpu.memref_slice %arg8[%dma_start3A_338, %dma_start3A_339, %dma_start3A_340] : memref<5x80x32xf32, #tpu.memory_space<vmem>> -> memref<1x80x32xf32, #tpu.memory_space<vmem>>
        %dma_start3A_342 = tpu.memref_squeeze %dma_start3A_341 : memref<1x80x32xf32, #tpu.memory_space<vmem>> -> memref<80x32xf32, #tpu.memory_space<vmem>>
        %dma_start3A_343 = arith.constant 0 : i32
        %dma_start3A_344 = tpu.memref_slice %arg6[%add3A_337, %dma_start3A_343] : memref<125x80xi32, #tpu.memory_space<vmem>> -> memref<1x80xi32, #tpu.memory_space<vmem>>
        %dma_start3A_345 = tpu.memref_squeeze %dma_start3A_344 : memref<1x80xi32, #tpu.memory_space<vmem>> -> memref<80xi32, #tpu.memory_space<vmem>>
        %dma_start3A_346 = arith.constant 0 : i32
        %dma_start3A_347 = arith.constant 0 : i32
        %dma_start3A_348 = tpu.memref_slice %arg10[%dma_start3A_346, %dma_start3A_347] : memref<10016x32xf32, #tpu.memory_space<vmem_shared>> -> memref<10016x32xf32, #tpu.memory_space<vmem_shared>>
        tpu.enqueue_indirect_dma source(%dma_start3A_348 : memref<10016x32xf32, #tpu.memory_space<vmem_shared>>) target(%dma_start3A_342 : memref<80x32xf32, #tpu.memory_space<vmem>>) offsets(%dma_start3A_345 : memref<80xi32, #tpu.memory_space<vmem>>) semaphore(%arg15 : memref<!tpu.dma_semaphore, #tpu.memory_space<semaphore_mem>>)
      } else {
      }
      %dma_wait3A_151 = arith.constant 0 : i32
      %dma_wait3A_152 = arith.constant 0 : i32
      %dma_wait3A_153 = arith.constant 0 : i32
      %dma_wait3A_154 = tpu.memref_slice %arg8[%dma_wait3A_151, %dma_wait3A_152, %dma_wait3A_153] : memref<5x80x32xf32, #tpu.memory_space<vmem>> -> memref<1x80x32xf32, #tpu.memory_space<vmem>>
      %dma_wait3A_155 = tpu.memref_squeeze %dma_wait3A_154 : memref<1x80x32xf32, #tpu.memory_space<vmem>> -> memref<80x32xf32, #tpu.memory_space<vmem>>
      %dma_wait3A_156 = arith.constant 0 : i32
      %dma_wait3A_157 = tpu.memref_slice %arg6[%add3A_142, %dma_wait3A_156] : memref<125x80xi32, #tpu.memory_space<vmem>> -> memref<1x80xi32, #tpu.memory_space<vmem>>
      %dma_wait3A_158 = tpu.memref_squeeze %dma_wait3A_157 : memref<1x80xi32, #tpu.memory_space<vmem>> -> memref<80xi32, #tpu.memory_space<vmem>>
      %dma_wait3A_159 = arith.constant 0 : i32
      %dma_wait3A_160 = arith.constant 0 : i32
      %dma_wait3A_161 = tpu.memref_slice %arg10[%dma_wait3A_159, %dma_wait3A_160] : memref<10016x32xf32, #tpu.memory_space<vmem_shared>> -> memref<10016x32xf32, #tpu.memory_space<vmem_shared>>
      tpu.wait_indirect_dma semaphore(%arg11 : memref<!tpu.dma_semaphore, #tpu.memory_space<semaphore_mem>>) src(%dma_wait3A_161 : memref<10016x32xf32, #tpu.memory_space<vmem_shared>>) dst(%dma_wait3A_155 : memref<80x32xf32, #tpu.memory_space<vmem>>)
      %dma_start3A_162 = arith.constant 0 : i32
      %dma_start3A_163 = arith.constant 0 : i32
      %dma_start3A_164 = arith.constant 0 : i32
      %dma_start3A_165 = tpu.memref_slice %arg8[%dma_start3A_162, %dma_start3A_163, %dma_start3A_164] : memref<5x80x32xf32, #tpu.memory_space<vmem>> -> memref<1x80x32xf32, #tpu.memory_space<vmem>>
      %dma_start3A_166 = tpu.memref_squeeze %dma_start3A_165 : memref<1x80x32xf32, #tpu.memory_space<vmem>> -> memref<80x32xf32, #tpu.memory_space<vmem>>
      %dma_start3A_167 = arith.constant 0 : i32
      %dma_start3A_168 = tpu.memref_slice %arg7[%add3A_142, %dma_start3A_167] : memref<125x80xi32, #tpu.memory_space<vmem>> -> memref<1x80xi32, #tpu.memory_space<vmem>>
      %dma_start3A_169 = tpu.memref_squeeze %dma_start3A_168 : memref<1x80xi32, #tpu.memory_space<vmem>> -> memref<80xi32, #tpu.memory_space<vmem>>
      %dma_start3A_170 = arith.constant 0 : i32
      %dma_start3A_171 = arith.constant 0 : i32
      %dma_start3A_172 = tpu.memref_slice %arg9[%dma_start3A_170, %dma_start3A_171] : memref<10016x32xf32, #tpu.memory_space<vmem_shared>> -> memref<10016x32xf32, #tpu.memory_space<vmem_shared>>
      tpu.enqueue_indirect_dma source(%dma_start3A_166 : memref<80x32xf32, #tpu.memory_space<vmem>>) target(%dma_start3A_172 : memref<10016x32xf32, #tpu.memory_space<vmem_shared>>) offsets(%dma_start3A_169 : memref<80xi32, #tpu.memory_space<vmem>>) semaphore(%arg16 : memref<!tpu.dma_semaphore, #tpu.memory_space<semaphore_mem>>) {add = true}
      %mul3A_173 = arith.constant 5 : i32
      %mul3A_174 = arith.muli %scan3A_138, %mul3A_173 : i32
      %add3A_175 = arith.constant 1 : i32
      %add3A_176 = arith.addi %mul3A_174, %add3A_175 : i32
      %sub3A_177 = arith.constant 1 : i32
      %sub3A_178 = arith.subi %add3A_176, %sub3A_177 : i32
      %ge3A_179 = arith.constant 0 : i32
      %ge3A_180 = arith.cmpi sge, %sub3A_178, %ge3A_179 : i32
      %add3A_181 = arith.constant 5 : i32
      %add3A_182 = arith.addi %sub3A_178, %add3A_181 : i32
      %lt3A_183 = arith.constant 125 : i32
      %lt3A_184 = arith.cmpi slt, %add3A_182, %lt3A_183 : i32
      %and3A_185 = arith.andi %ge3A_180, %lt3A_184 : i1
      %convert_element_type3A_186 = arith.extui %and3A_185 : i1 to i32
      %cond3A_187 = arith.constant 0 : i32
      %cond3A_188 = arith.cmpi ne, %convert_element_type3A_186, %cond3A_187 : i32
      scf.if %cond3A_188 {
        %dma_wait3A_325 = arith.constant 0 : i32
        %dma_wait3A_326 = arith.constant 0 : i32
        %dma_wait3A_327 = arith.constant 0 : i32
        %dma_wait3A_328 = tpu.memref_slice %arg8[%dma_wait3A_325, %dma_wait3A_326, %dma_wait3A_327] : memref<5x80x32xf32, #tpu.memory_space<vmem>> -> memref<1x80x32xf32, #tpu.memory_space<vmem>>
        %dma_wait3A_329 = tpu.memref_squeeze %dma_wait3A_328 : memref<1x80x32xf32, #tpu.memory_space<vmem>> -> memref<80x32xf32, #tpu.memory_space<vmem>>
        %dma_wait3A_330 = arith.constant 0 : i32
        %dma_wait3A_331 = tpu.memref_slice %arg7[%sub3A_178, %dma_wait3A_330] : memref<125x80xi32, #tpu.memory_space<vmem>> -> memref<1x80xi32, #tpu.memory_space<vmem>>
        %dma_wait3A_332 = tpu.memref_squeeze %dma_wait3A_331 : memref<1x80xi32, #tpu.memory_space<vmem>> -> memref<80xi32, #tpu.memory_space<vmem>>
        %dma_wait3A_333 = arith.constant 0 : i32
        %dma_wait3A_334 = arith.constant 0 : i32
        %dma_wait3A_335 = tpu.memref_slice %arg9[%dma_wait3A_333, %dma_wait3A_334] : memref<10016x32xf32, #tpu.memory_space<vmem_shared>> -> memref<10016x32xf32, #tpu.memory_space<vmem_shared>>
        tpu.wait_indirect_dma semaphore(%arg16 : memref<!tpu.dma_semaphore, #tpu.memory_space<semaphore_mem>>) src(%dma_wait3A_329 : memref<80x32xf32, #tpu.memory_space<vmem>>) dst(%dma_wait3A_335 : memref<10016x32xf32, #tpu.memory_space<vmem_shared>>)
        %add3A_336 = arith.constant 5 : i32
        %add3A_337 = arith.addi %sub3A_178, %add3A_336 : i32
        %dma_start3A_338 = arith.constant 0 : i32
        %dma_start3A_339 = arith.constant 0 : i32
        %dma_start3A_340 = arith.constant 0 : i32
        %dma_start3A_341 = tpu.memref_slice %arg8[%dma_start3A_338, %dma_start3A_339, %dma_start3A_340] : memref<5x80x32xf32, #tpu.memory_space<vmem>> -> memref<1x80x32xf32, #tpu.memory_space<vmem>>
        %dma_start3A_342 = tpu.memref_squeeze %dma_start3A_341 : memref<1x80x32xf32, #tpu.memory_space<vmem>> -> memref<80x32xf32, #tpu.memory_space<vmem>>
        %dma_start3A_343 = arith.constant 0 : i32
        %dma_start3A_344 = tpu.memref_slice %arg6[%add3A_337, %dma_start3A_343] : memref<125x80xi32, #tpu.memory_space<vmem>> -> memref<1x80xi32, #tpu.memory_space<vmem>>
        %dma_start3A_345 = tpu.memref_squeeze %dma_start3A_344 : memref<1x80xi32, #tpu.memory_space<vmem>> -> memref<80xi32, #tpu.memory_space<vmem>>
        %dma_start3A_346 = arith.constant 0 : i32
        %dma_start3A_347 = arith.constant 0 : i32
        %dma_start3A_348 = tpu.memref_slice %arg10[%dma_start3A_346, %dma_start3A_347] : memref<10016x32xf32, #tpu.memory_space<vmem_shared>> -> memref<10016x32xf32, #tpu.memory_space<vmem_shared>>
        tpu.enqueue_indirect_dma source(%dma_start3A_348 : memref<10016x32xf32, #tpu.memory_space<vmem_shared>>) target(%dma_start3A_342 : memref<80x32xf32, #tpu.memory_space<vmem>>) offsets(%dma_start3A_345 : memref<80xi32, #tpu.memory_space<vmem>>) semaphore(%arg11 : memref<!tpu.dma_semaphore, #tpu.memory_space<semaphore_mem>>)
      } else {
      }
      %dma_wait3A_189 = arith.constant 1 : i32
      %dma_wait3A_190 = arith.constant 0 : i32
      %dma_wait3A_191 = arith.constant 0 : i32
      %dma_wait3A_192 = tpu.memref_slice %arg8[%dma_wait3A_189, %dma_wait3A_190, %dma_wait3A_191] : memref<5x80x32xf32, #tpu.memory_space<vmem>> -> memref<1x80x32xf32, #tpu.memory_space<vmem>>
      %dma_wait3A_193 = tpu.memref_squeeze %dma_wait3A_192 : memref<1x80x32xf32, #tpu.memory_space<vmem>> -> memref<80x32xf32, #tpu.memory_space<vmem>>
      %dma_wait3A_194 = arith.constant 0 : i32
      %dma_wait3A_195 = tpu.memref_slice %arg6[%add3A_176, %dma_wait3A_194] : memref<125x80xi32, #tpu.memory_space<vmem>> -> memref<1x80xi32, #tpu.memory_space<vmem>>
      %dma_wait3A_196 = tpu.memref_squeeze %dma_wait3A_195 : memref<1x80xi32, #tpu.memory_space<vmem>> -> memref<80xi32, #tpu.memory_space<vmem>>
      %dma_wait3A_197 = arith.constant 0 : i32
      %dma_wait3A_198 = arith.constant 0 : i32
      %dma_wait3A_199 = tpu.memref_slice %arg10[%dma_wait3A_197, %dma_wait3A_198] : memref<10016x32xf32, #tpu.memory_space<vmem_shared>> -> memref<10016x32xf32, #tpu.memory_space<vmem_shared>>
      tpu.wait_indirect_dma semaphore(%arg12 : memref<!tpu.dma_semaphore, #tpu.memory_space<semaphore_mem>>) src(%dma_wait3A_199 : memref<10016x32xf32, #tpu.memory_space<vmem_shared>>) dst(%dma_wait3A_193 : memref<80x32xf32, #tpu.memory_space<vmem>>)
      %dma_start3A_200 = arith.constant 1 : i32
      %dma_start3A_201 = arith.constant 0 : i32
      %dma_start3A_202 = arith.constant 0 : i32
      %dma_start3A_203 = tpu.memref_slice %arg8[%dma_start3A_200, %dma_start3A_201, %dma_start3A_202] : memref<5x80x32xf32, #tpu.memory_space<vmem>> -> memref<1x80x32xf32, #tpu.memory_space<vmem>>
      %dma_start3A_204 = tpu.memref_squeeze %dma_start3A_203 : memref<1x80x32xf32, #tpu.memory_space<vmem>> -> memref<80x32xf32, #tpu.memory_space<vmem>>
      %dma_start3A_205 = arith.constant 0 : i32
      %dma_start3A_206 = tpu.memref_slice %arg7[%add3A_176, %dma_start3A_205] : memref<125x80xi32, #tpu.memory_space<vmem>> -> memref<1x80xi32, #tpu.memory_space<vmem>>
      %dma_start3A_207 = tpu.memref_squeeze %dma_start3A_206 : memref<1x80xi32, #tpu.memory_space<vmem>> -> memref<80xi32, #tpu.memory_space<vmem>>
      %dma_start3A_208 = arith.constant 0 : i32
      %dma_start3A_209 = arith.constant 0 : i32
      %dma_start3A_210 = tpu.memref_slice %arg9[%dma_start3A_208, %dma_start3A_209] : memref<10016x32xf32, #tpu.memory_space<vmem_shared>> -> memref<10016x32xf32, #tpu.memory_space<vmem_shared>>
      tpu.enqueue_indirect_dma source(%dma_start3A_204 : memref<80x32xf32, #tpu.memory_space<vmem>>) target(%dma_start3A_210 : memref<10016x32xf32, #tpu.memory_space<vmem_shared>>) offsets(%dma_start3A_207 : memref<80xi32, #tpu.memory_space<vmem>>) semaphore(%arg17 : memref<!tpu.dma_semaphore, #tpu.memory_space<semaphore_mem>>) {add = true}
      %mul3A_211 = arith.constant 5 : i32
      %mul3A_212 = arith.muli %scan3A_138, %mul3A_211 : i32
      %add3A_213 = arith.constant 2 : i32
      %add3A_214 = arith.addi %mul3A_212, %add3A_213 : i32
      %sub3A_215 = arith.constant 1 : i32
      %sub3A_216 = arith.subi %add3A_214, %sub3A_215 : i32
      %ge3A_217 = arith.constant 0 : i32
      %ge3A_218 = arith.cmpi sge, %sub3A_216, %ge3A_217 : i32
      %add3A_219 = arith.constant 5 : i32
      %add3A_220 = arith.addi %sub3A_216, %add3A_219 : i32
      %lt3A_221 = arith.constant 125 : i32
      %lt3A_222 = arith.cmpi slt, %add3A_220, %lt3A_221 : i32
      %and3A_223 = arith.andi %ge3A_218, %lt3A_222 : i1
      %convert_element_type3A_224 = arith.extui %and3A_223 : i1 to i32
      %cond3A_225 = arith.constant 0 : i32
      %cond3A_226 = arith.cmpi ne, %convert_element_type3A_224, %cond3A_225 : i32
      scf.if %cond3A_226 {
        %dma_wait3A_325 = arith.constant 1 : i32
        %dma_wait3A_326 = arith.constant 0 : i32
        %dma_wait3A_327 = arith.constant 0 : i32
        %dma_wait3A_328 = tpu.memref_slice %arg8[%dma_wait3A_325, %dma_wait3A_326, %dma_wait3A_327] : memref<5x80x32xf32, #tpu.memory_space<vmem>> -> memref<1x80x32xf32, #tpu.memory_space<vmem>>
        %dma_wait3A_329 = tpu.memref_squeeze %dma_wait3A_328 : memref<1x80x32xf32, #tpu.memory_space<vmem>> -> memref<80x32xf32, #tpu.memory_space<vmem>>
        %dma_wait3A_330 = arith.constant 0 : i32
        %dma_wait3A_331 = tpu.memref_slice %arg7[%sub3A_216, %dma_wait3A_330] : memref<125x80xi32, #tpu.memory_space<vmem>> -> memref<1x80xi32, #tpu.memory_space<vmem>>
        %dma_wait3A_332 = tpu.memref_squeeze %dma_wait3A_331 : memref<1x80xi32, #tpu.memory_space<vmem>> -> memref<80xi32, #tpu.memory_space<vmem>>
        %dma_wait3A_333 = arith.constant 0 : i32
        %dma_wait3A_334 = arith.constant 0 : i32
        %dma_wait3A_335 = tpu.memref_slice %arg9[%dma_wait3A_333, %dma_wait3A_334] : memref<10016x32xf32, #tpu.memory_space<vmem_shared>> -> memref<10016x32xf32, #tpu.memory_space<vmem_shared>>
        tpu.wait_indirect_dma semaphore(%arg17 : memref<!tpu.dma_semaphore, #tpu.memory_space<semaphore_mem>>) src(%dma_wait3A_329 : memref<80x32xf32, #tpu.memory_space<vmem>>) dst(%dma_wait3A_335 : memref<10016x32xf32, #tpu.memory_space<vmem_shared>>)
        %add3A_336 = arith.constant 5 : i32
        %add3A_337 = arith.addi %sub3A_216, %add3A_336 : i32
        %dma_start3A_338 = arith.constant 1 : i32
        %dma_start3A_339 = arith.constant 0 : i32
        %dma_start3A_340 = arith.constant 0 : i32
        %dma_start3A_341 = tpu.memref_slice %arg8[%dma_start3A_338, %dma_start3A_339, %dma_start3A_340] : memref<5x80x32xf32, #tpu.memory_space<vmem>> -> memref<1x80x32xf32, #tpu.memory_space<vmem>>
        %dma_start3A_342 = tpu.memref_squeeze %dma_start3A_341 : memref<1x80x32xf32, #tpu.memory_space<vmem>> -> memref<80x32xf32, #tpu.memory_space<vmem>>
        %dma_start3A_343 = arith.constant 0 : i32
        %dma_start3A_344 = tpu.memref_slice %arg6[%add3A_337, %dma_start3A_343] : memref<125x80xi32, #tpu.memory_space<vmem>> -> memref<1x80xi32, #tpu.memory_space<vmem>>
        %dma_start3A_345 = tpu.memref_squeeze %dma_start3A_344 : memref<1x80xi32, #tpu.memory_space<vmem>> -> memref<80xi32, #tpu.memory_space<vmem>>
        %dma_start3A_346 = arith.constant 0 : i32
        %dma_start3A_347 = arith.constant 0 : i32
        %dma_start3A_348 = tpu.memref_slice %arg10[%dma_start3A_346, %dma_start3A_347] : memref<10016x32xf32, #tpu.memory_space<vmem_shared>> -> memref<10016x32xf32, #tpu.memory_space<vmem_shared>>
        tpu.enqueue_indirect_dma source(%dma_start3A_348 : memref<10016x32xf32, #tpu.memory_space<vmem_shared>>) target(%dma_start3A_342 : memref<80x32xf32, #tpu.memory_space<vmem>>) offsets(%dma_start3A_345 : memref<80xi32, #tpu.memory_space<vmem>>) semaphore(%arg12 : memref<!tpu.dma_semaphore, #tpu.memory_space<semaphore_mem>>)
      } else {
      }
      %dma_wait3A_227 = arith.constant 2 : i32
      %dma_wait3A_228 = arith.constant 0 : i32
      %dma_wait3A_229 = arith.constant 0 : i32
      %dma_wait3A_230 = tpu.memref_slice %arg8[%dma_wait3A_227, %dma_wait3A_228, %dma_wait3A_229] : memref<5x80x32xf32, #tpu.memory_space<vmem>> -> memref<1x80x32xf32, #tpu.memory_space<vmem>>
      %dma_wait3A_231 = tpu.memref_squeeze %dma_wait3A_230 : memref<1x80x32xf32, #tpu.memory_space<vmem>> -> memref<80x32xf32, #tpu.memory_space<vmem>>
      %dma_wait3A_232 = arith.constant 0 : i32
      %dma_wait3A_233 = tpu.memref_slice %arg6[%add3A_214, %dma_wait3A_232] : memref<125x80xi32, #tpu.memory_space<vmem>> -> memref<1x80xi32, #tpu.memory_space<vmem>>
      %dma_wait3A_234 = tpu.memref_squeeze %dma_wait3A_233 : memref<1x80xi32, #tpu.memory_space<vmem>> -> memref<80xi32, #tpu.memory_space<vmem>>
      %dma_wait3A_235 = arith.constant 0 : i32
      %dma_wait3A_236 = arith.constant 0 : i32
      %dma_wait3A_237 = tpu.memref_slice %arg10[%dma_wait3A_235, %dma_wait3A_236] : memref<10016x32xf32, #tpu.memory_space<vmem_shared>> -> memref<10016x32xf32, #tpu.memory_space<vmem_shared>>
      tpu.wait_indirect_dma semaphore(%arg13 : memref<!tpu.dma_semaphore, #tpu.memory_space<semaphore_mem>>) src(%dma_wait3A_237 : memref<10016x32xf32, #tpu.memory_space<vmem_shared>>) dst(%dma_wait3A_231 : memref<80x32xf32, #tpu.memory_space<vmem>>)
      %dma_start3A_238 = arith.constant 2 : i32
      %dma_start3A_239 = arith.constant 0 : i32
      %dma_start3A_240 = arith.constant 0 : i32
      %dma_start3A_241 = tpu.memref_slice %arg8[%dma_start3A_238, %dma_start3A_239, %dma_start3A_240] : memref<5x80x32xf32, #tpu.memory_space<vmem>> -> memref<1x80x32xf32, #tpu.memory_space<vmem>>
      %dma_start3A_242 = tpu.memref_squeeze %dma_start3A_241 : memref<1x80x32xf32, #tpu.memory_space<vmem>> -> memref<80x32xf32, #tpu.memory_space<vmem>>
      %dma_start3A_243 = arith.constant 0 : i32
      %dma_start3A_244 = tpu.memref_slice %arg7[%add3A_214, %dma_start3A_243] : memref<125x80xi32, #tpu.memory_space<vmem>> -> memref<1x80xi32, #tpu.memory_space<vmem>>
      %dma_start3A_245 = tpu.memref_squeeze %dma_start3A_244 : memref<1x80xi32, #tpu.memory_space<vmem>> -> memref<80xi32, #tpu.memory_space<vmem>>
      %dma_start3A_246 = arith.constant 0 : i32
      %dma_start3A_247 = arith.constant 0 : i32
      %dma_start3A_248 = tpu.memref_slice %arg9[%dma_start3A_246, %dma_start3A_247] : memref<10016x32xf32, #tpu.memory_space<vmem_shared>> -> memref<10016x32xf32, #tpu.memory_space<vmem_shared>>
      tpu.enqueue_indirect_dma source(%dma_start3A_242 : memref<80x32xf32, #tpu.memory_space<vmem>>) target(%dma_start3A_248 : memref<10016x32xf32, #tpu.memory_space<vmem_shared>>) offsets(%dma_start3A_245 : memref<80xi32, #tpu.memory_space<vmem>>) semaphore(%arg18 : memref<!tpu.dma_semaphore, #tpu.memory_space<semaphore_mem>>) {add = true}
      %mul3A_249 = arith.constant 5 : i32
      %mul3A_250 = arith.muli %scan3A_138, %mul3A_249 : i32
      %add3A_251 = arith.constant 3 : i32
      %add3A_252 = arith.addi %mul3A_250, %add3A_251 : i32
      %sub3A_253 = arith.constant 1 : i32
      %sub3A_254 = arith.subi %add3A_252, %sub3A_253 : i32
      %ge3A_255 = arith.constant 0 : i32
      %ge3A_256 = arith.cmpi sge, %sub3A_254, %ge3A_255 : i32
      %add3A_257 = arith.constant 5 : i32
      %add3A_258 = arith.addi %sub3A_254, %add3A_257 : i32
      %lt3A_259 = arith.constant 125 : i32
      %lt3A_260 = arith.cmpi slt, %add3A_258, %lt3A_259 : i32
      %and3A_261 = arith.andi %ge3A_256, %lt3A_260 : i1
      %convert_element_type3A_262 = arith.extui %and3A_261 : i1 to i32
      %cond3A_263 = arith.constant 0 : i32
      %cond3A_264 = arith.cmpi ne, %convert_element_type3A_262, %cond3A_263 : i32
      scf.if %cond3A_264 {
        %dma_wait3A_325 = arith.constant 2 : i32
        %dma_wait3A_326 = arith.constant 0 : i32
        %dma_wait3A_327 = arith.constant 0 : i32
        %dma_wait3A_328 = tpu.memref_slice %arg8[%dma_wait3A_325, %dma_wait3A_326, %dma_wait3A_327] : memref<5x80x32xf32, #tpu.memory_space<vmem>> -> memref<1x80x32xf32, #tpu.memory_space<vmem>>
        %dma_wait3A_329 = tpu.memref_squeeze %dma_wait3A_328 : memref<1x80x32xf32, #tpu.memory_space<vmem>> -> memref<80x32xf32, #tpu.memory_space<vmem>>
        %dma_wait3A_330 = arith.constant 0 : i32
        %dma_wait3A_331 = tpu.memref_slice %arg7[%sub3A_254, %dma_wait3A_330] : memref<125x80xi32, #tpu.memory_space<vmem>> -> memref<1x80xi32, #tpu.memory_space<vmem>>
        %dma_wait3A_332 = tpu.memref_squeeze %dma_wait3A_331 : memref<1x80xi32, #tpu.memory_space<vmem>> -> memref<80xi32, #tpu.memory_space<vmem>>
        %dma_wait3A_333 = arith.constant 0 : i32
        %dma_wait3A_334 = arith.constant 0 : i32
        %dma_wait3A_335 = tpu.memref_slice %arg9[%dma_wait3A_333, %dma_wait3A_334] : memref<10016x32xf32, #tpu.memory_space<vmem_shared>> -> memref<10016x32xf32, #tpu.memory_space<vmem_shared>>
        tpu.wait_indirect_dma semaphore(%arg18 : memref<!tpu.dma_semaphore, #tpu.memory_space<semaphore_mem>>) src(%dma_wait3A_329 : memref<80x32xf32, #tpu.memory_space<vmem>>) dst(%dma_wait3A_335 : memref<10016x32xf32, #tpu.memory_space<vmem_shared>>)
        %add3A_336 = arith.constant 5 : i32
        %add3A_337 = arith.addi %sub3A_254, %add3A_336 : i32
        %dma_start3A_338 = arith.constant 2 : i32
        %dma_start3A_339 = arith.constant 0 : i32
        %dma_start3A_340 = arith.constant 0 : i32
        %dma_start3A_341 = tpu.memref_slice %arg8[%dma_start3A_338, %dma_start3A_339, %dma_start3A_340] : memref<5x80x32xf32, #tpu.memory_space<vmem>> -> memref<1x80x32xf32, #tpu.memory_space<vmem>>
        %dma_start3A_342 = tpu.memref_squeeze %dma_start3A_341 : memref<1x80x32xf32, #tpu.memory_space<vmem>> -> memref<80x32xf32, #tpu.memory_space<vmem>>
        %dma_start3A_343 = arith.constant 0 : i32
        %dma_start3A_344 = tpu.memref_slice %arg6[%add3A_337, %dma_start3A_343] : memref<125x80xi32, #tpu.memory_space<vmem>> -> memref<1x80xi32, #tpu.memory_space<vmem>>
        %dma_start3A_345 = tpu.memref_squeeze %dma_start3A_344 : memref<1x80xi32, #tpu.memory_space<vmem>> -> memref<80xi32, #tpu.memory_space<vmem>>
        %dma_start3A_346 = arith.constant 0 : i32
        %dma_start3A_347 = arith.constant 0 : i32
        %dma_start3A_348 = tpu.memref_slice %arg10[%dma_start3A_346, %dma_start3A_347] : memref<10016x32xf32, #tpu.memory_space<vmem_shared>> -> memref<10016x32xf32, #tpu.memory_space<vmem_shared>>
        tpu.enqueue_indirect_dma source(%dma_start3A_348 : memref<10016x32xf32, #tpu.memory_space<vmem_shared>>) target(%dma_start3A_342 : memref<80x32xf32, #tpu.memory_space<vmem>>) offsets(%dma_start3A_345 : memref<80xi32, #tpu.memory_space<vmem>>) semaphore(%arg13 : memref<!tpu.dma_semaphore, #tpu.memory_space<semaphore_mem>>)
      } else {
      }
      %dma_wait3A_265 = arith.constant 3 : i32
      %dma_wait3A_266 = arith.constant 0 : i32
      %dma_wait3A_267 = arith.constant 0 : i32
      %dma_wait3A_268 = tpu.memref_slice %arg8[%dma_wait3A_265, %dma_wait3A_266, %dma_wait3A_267] : memref<5x80x32xf32, #tpu.memory_space<vmem>> -> memref<1x80x32xf32, #tpu.memory_space<vmem>>
      %dma_wait3A_269 = tpu.memref_squeeze %dma_wait3A_268 : memref<1x80x32xf32, #tpu.memory_space<vmem>> -> memref<80x32xf32, #tpu.memory_space<vmem>>
      %dma_wait3A_270 = arith.constant 0 : i32
      %dma_wait3A_271 = tpu.memref_slice %arg6[%add3A_252, %dma_wait3A_270] : memref<125x80xi32, #tpu.memory_space<vmem>> -> memref<1x80xi32, #tpu.memory_space<vmem>>
      %dma_wait3A_272 = tpu.memref_squeeze %dma_wait3A_271 : memref<1x80xi32, #tpu.memory_space<vmem>> -> memref<80xi32, #tpu.memory_space<vmem>>
      %dma_wait3A_273 = arith.constant 0 : i32
      %dma_wait3A_274 = arith.constant 0 : i32
      %dma_wait3A_275 = tpu.memref_slice %arg10[%dma_wait3A_273, %dma_wait3A_274] : memref<10016x32xf32, #tpu.memory_space<vmem_shared>> -> memref<10016x32xf32, #tpu.memory_space<vmem_shared>>
      tpu.wait_indirect_dma semaphore(%arg14 : memref<!tpu.dma_semaphore, #tpu.memory_space<semaphore_mem>>) src(%dma_wait3A_275 : memref<10016x32xf32, #tpu.memory_space<vmem_shared>>) dst(%dma_wait3A_269 : memref<80x32xf32, #tpu.memory_space<vmem>>)
      %dma_start3A_276 = arith.constant 3 : i32
      %dma_start3A_277 = arith.constant 0 : i32
      %dma_start3A_278 = arith.constant 0 : i32
      %dma_start3A_279 = tpu.memref_slice %arg8[%dma_start3A_276, %dma_start3A_277, %dma_start3A_278] : memref<5x80x32xf32, #tpu.memory_space<vmem>> -> memref<1x80x32xf32, #tpu.memory_space<vmem>>
      %dma_start3A_280 = tpu.memref_squeeze %dma_start3A_279 : memref<1x80x32xf32, #tpu.memory_space<vmem>> -> memref<80x32xf32, #tpu.memory_space<vmem>>
      %dma_start3A_281 = arith.constant 0 : i32
      %dma_start3A_282 = tpu.memref_slice %arg7[%add3A_252, %dma_start3A_281] : memref<125x80xi32, #tpu.memory_space<vmem>> -> memref<1x80xi32, #tpu.memory_space<vmem>>
      %dma_start3A_283 = tpu.memref_squeeze %dma_start3A_282 : memref<1x80xi32, #tpu.memory_space<vmem>> -> memref<80xi32, #tpu.memory_space<vmem>>
      %dma_start3A_284 = arith.constant 0 : i32
      %dma_start3A_285 = arith.constant 0 : i32
      %dma_start3A_286 = tpu.memref_slice %arg9[%dma_start3A_284, %dma_start3A_285] : memref<10016x32xf32, #tpu.memory_space<vmem_shared>> -> memref<10016x32xf32, #tpu.memory_space<vmem_shared>>
      tpu.enqueue_indirect_dma source(%dma_start3A_280 : memref<80x32xf32, #tpu.memory_space<vmem>>) target(%dma_start3A_286 : memref<10016x32xf32, #tpu.memory_space<vmem_shared>>) offsets(%dma_start3A_283 : memref<80xi32, #tpu.memory_space<vmem>>) semaphore(%arg19 : memref<!tpu.dma_semaphore, #tpu.memory_space<semaphore_mem>>) {add = true}
      %mul3A_287 = arith.constant 5 : i32
      %mul3A_288 = arith.muli %scan3A_138, %mul3A_287 : i32
      %add3A_289 = arith.constant 4 : i32
      %add3A_290 = arith.addi %mul3A_288, %add3A_289 : i32
      %sub3A_291 = arith.constant 1 : i32
      %sub3A_292 = arith.subi %add3A_290, %sub3A_291 : i32
      %ge3A_293 = arith.constant 0 : i32
      %ge3A_294 = arith.cmpi sge, %sub3A_292, %ge3A_293 : i32
      %add3A_295 = arith.constant 5 : i32
      %add3A_296 = arith.addi %sub3A_292, %add3A_295 : i32
      %lt3A_297 = arith.constant 125 : i32
      %lt3A_298 = arith.cmpi slt, %add3A_296, %lt3A_297 : i32
      %and3A_299 = arith.andi %ge3A_294, %lt3A_298 : i1
      %convert_element_type3A_300 = arith.extui %and3A_299 : i1 to i32
      %cond3A_301 = arith.constant 0 : i32
      %cond3A_302 = arith.cmpi ne, %convert_element_type3A_300, %cond3A_301 : i32
      scf.if %cond3A_302 {
        %dma_wait3A_325 = arith.constant 3 : i32
        %dma_wait3A_326 = arith.constant 0 : i32
        %dma_wait3A_327 = arith.constant 0 : i32
        %dma_wait3A_328 = tpu.memref_slice %arg8[%dma_wait3A_325, %dma_wait3A_326, %dma_wait3A_327] : memref<5x80x32xf32, #tpu.memory_space<vmem>> -> memref<1x80x32xf32, #tpu.memory_space<vmem>>
        %dma_wait3A_329 = tpu.memref_squeeze %dma_wait3A_328 : memref<1x80x32xf32, #tpu.memory_space<vmem>> -> memref<80x32xf32, #tpu.memory_space<vmem>>
        %dma_wait3A_330 = arith.constant 0 : i32
        %dma_wait3A_331 = tpu.memref_slice %arg7[%sub3A_292, %dma_wait3A_330] : memref<125x80xi32, #tpu.memory_space<vmem>> -> memref<1x80xi32, #tpu.memory_space<vmem>>
        %dma_wait3A_332 = tpu.memref_squeeze %dma_wait3A_331 : memref<1x80xi32, #tpu.memory_space<vmem>> -> memref<80xi32, #tpu.memory_space<vmem>>
        %dma_wait3A_333 = arith.constant 0 : i32
        %dma_wait3A_334 = arith.constant 0 : i32
        %dma_wait3A_335 = tpu.memref_slice %arg9[%dma_wait3A_333, %dma_wait3A_334] : memref<10016x32xf32, #tpu.memory_space<vmem_shared>> -> memref<10016x32xf32, #tpu.memory_space<vmem_shared>>
        tpu.wait_indirect_dma semaphore(%arg19 : memref<!tpu.dma_semaphore, #tpu.memory_space<semaphore_mem>>) src(%dma_wait3A_329 : memref<80x32xf32, #tpu.memory_space<vmem>>) dst(%dma_wait3A_335 : memref<10016x32xf32, #tpu.memory_space<vmem_shared>>)
        %add3A_336 = arith.constant 5 : i32
        %add3A_337 = arith.addi %sub3A_292, %add3A_336 : i32
        %dma_start3A_338 = arith.constant 3 : i32
        %dma_start3A_339 = arith.constant 0 : i32
        %dma_start3A_340 = arith.constant 0 : i32
        %dma_start3A_341 = tpu.memref_slice %arg8[%dma_start3A_338, %dma_start3A_339, %dma_start3A_340] : memref<5x80x32xf32, #tpu.memory_space<vmem>> -> memref<1x80x32xf32, #tpu.memory_space<vmem>>
        %dma_start3A_342 = tpu.memref_squeeze %dma_start3A_341 : memref<1x80x32xf32, #tpu.memory_space<vmem>> -> memref<80x32xf32, #tpu.memory_space<vmem>>
        %dma_start3A_343 = arith.constant 0 : i32
        %dma_start3A_344 = tpu.memref_slice %arg6[%add3A_337, %dma_start3A_343] : memref<125x80xi32, #tpu.memory_space<vmem>> -> memref<1x80xi32, #tpu.memory_space<vmem>>
        %dma_start3A_345 = tpu.memref_squeeze %dma_start3A_344 : memref<1x80xi32, #tpu.memory_space<vmem>> -> memref<80xi32, #tpu.memory_space<vmem>>
        %dma_start3A_346 = arith.constant 0 : i32
        %dma_start3A_347 = arith.constant 0 : i32
        %dma_start3A_348 = tpu.memref_slice %arg10[%dma_start3A_346, %dma_start3A_347] : memref<10016x32xf32, #tpu.memory_space<vmem_shared>> -> memref<10016x32xf32, #tpu.memory_space<vmem_shared>>
        tpu.enqueue_indirect_dma source(%dma_start3A_348 : memref<10016x32xf32, #tpu.memory_space<vmem_shared>>) target(%dma_start3A_342 : memref<80x32xf32, #tpu.memory_space<vmem>>) offsets(%dma_start3A_345 : memref<80xi32, #tpu.memory_space<vmem>>) semaphore(%arg14 : memref<!tpu.dma_semaphore, #tpu.memory_space<semaphore_mem>>)
      } else {
      }
      %dma_wait3A_303 = arith.constant 4 : i32
      %dma_wait3A_304 = arith.constant 0 : i32
      %dma_wait3A_305 = arith.constant 0 : i32
      %dma_wait3A_306 = tpu.memref_slice %arg8[%dma_wait3A_303, %dma_wait3A_304, %dma_wait3A_305] : memref<5x80x32xf32, #tpu.memory_space<vmem>> -> memref<1x80x32xf32, #tpu.memory_space<vmem>>
      %dma_wait3A_307 = tpu.memref_squeeze %dma_wait3A_306 : memref<1x80x32xf32, #tpu.memory_space<vmem>> -> memref<80x32xf32, #tpu.memory_space<vmem>>
      %dma_wait3A_308 = arith.constant 0 : i32
      %dma_wait3A_309 = tpu.memref_slice %arg6[%add3A_290, %dma_wait3A_308] : memref<125x80xi32, #tpu.memory_space<vmem>> -> memref<1x80xi32, #tpu.memory_space<vmem>>
      %dma_wait3A_310 = tpu.memref_squeeze %dma_wait3A_309 : memref<1x80xi32, #tpu.memory_space<vmem>> -> memref<80xi32, #tpu.memory_space<vmem>>
      %dma_wait3A_311 = arith.constant 0 : i32
      %dma_wait3A_312 = arith.constant 0 : i32
      %dma_wait3A_313 = tpu.memref_slice %arg10[%dma_wait3A_311, %dma_wait3A_312] : memref<10016x32xf32, #tpu.memory_space<vmem_shared>> -> memref<10016x32xf32, #tpu.memory_space<vmem_shared>>
      tpu.wait_indirect_dma semaphore(%arg15 : memref<!tpu.dma_semaphore, #tpu.memory_space<semaphore_mem>>) src(%dma_wait3A_313 : memref<10016x32xf32, #tpu.memory_space<vmem_shared>>) dst(%dma_wait3A_307 : memref<80x32xf32, #tpu.memory_space<vmem>>)
      %dma_start3A_314 = arith.constant 4 : i32
      %dma_start3A_315 = arith.constant 0 : i32
      %dma_start3A_316 = arith.constant 0 : i32
      %dma_start3A_317 = tpu.memref_slice %arg8[%dma_start3A_314, %dma_start3A_315, %dma_start3A_316] : memref<5x80x32xf32, #tpu.memory_space<vmem>> -> memref<1x80x32xf32, #tpu.memory_space<vmem>>
      %dma_start3A_318 = tpu.memref_squeeze %dma_start3A_317 : memref<1x80x32xf32, #tpu.memory_space<vmem>> -> memref<80x32xf32, #tpu.memory_space<vmem>>
      %dma_start3A_319 = arith.constant 0 : i32
      %dma_start3A_320 = tpu.memref_slice %arg7[%add3A_290, %dma_start3A_319] : memref<125x80xi32, #tpu.memory_space<vmem>> -> memref<1x80xi32, #tpu.memory_space<vmem>>
      %dma_start3A_321 = tpu.memref_squeeze %dma_start3A_320 : memref<1x80xi32, #tpu.memory_space<vmem>> -> memref<80xi32, #tpu.memory_space<vmem>>
      %dma_start3A_322 = arith.constant 0 : i32
      %dma_start3A_323 = arith.constant 0 : i32
      %dma_start3A_324 = tpu.memref_slice %arg9[%dma_start3A_322, %dma_start3A_323] : memref<10016x32xf32, #tpu.memory_space<vmem_shared>> -> memref<10016x32xf32, #tpu.memory_space<vmem_shared>>
      tpu.enqueue_indirect_dma source(%dma_start3A_318 : memref<80x32xf32, #tpu.memory_space<vmem>>) target(%dma_start3A_324 : memref<10016x32xf32, #tpu.memory_space<vmem_shared>>) offsets(%dma_start3A_321 : memref<80xi32, #tpu.memory_space<vmem>>) semaphore(%arg20 : memref<!tpu.dma_semaphore, #tpu.memory_space<semaphore_mem>>) {add = true}
    }
    %scan3A_72 = arith.constant 25 : i32
    %dma_wait3A = arith.constant 0 : i32
    %dma_wait3A_73 = arith.constant 120 : i32
    %dma_wait3A_74 = arith.constant 0 : i32
    %dma_wait3A_75 = arith.constant 0 : i32
    %dma_wait3A_76 = tpu.memref_slice %arg8[%dma_wait3A, %dma_wait3A_74, %dma_wait3A_75] : memref<5x80x32xf32, #tpu.memory_space<vmem>> -> memref<1x80x32xf32, #tpu.memory_space<vmem>>
    %dma_wait3A_77 = tpu.memref_squeeze %dma_wait3A_76 : memref<1x80x32xf32, #tpu.memory_space<vmem>> -> memref<80x32xf32, #tpu.memory_space<vmem>>
    %dma_wait3A_78 = arith.constant 0 : i32
    %dma_wait3A_79 = tpu.memref_slice %arg7[%dma_wait3A_73, %dma_wait3A_78] : memref<125x80xi32, #tpu.memory_space<vmem>> -> memref<1x80xi32, #tpu.memory_space<vmem>>
    %dma_wait3A_80 = tpu.memref_squeeze %dma_wait3A_79 : memref<1x80xi32, #tpu.memory_space<vmem>> -> memref<80xi32, #tpu.memory_space<vmem>>
    %dma_wait3A_81 = arith.constant 0 : i32
    %dma_wait3A_82 = arith.constant 0 : i32
    %dma_wait3A_83 = tpu.memref_slice %arg9[%dma_wait3A_81, %dma_wait3A_82] : memref<10016x32xf32, #tpu.memory_space<vmem_shared>> -> memref<10016x32xf32, #tpu.memory_space<vmem_shared>>
    tpu.wait_indirect_dma semaphore(%arg16 : memref<!tpu.dma_semaphore, #tpu.memory_space<semaphore_mem>>) src(%dma_wait3A_77 : memref<80x32xf32, #tpu.memory_space<vmem>>) dst(%dma_wait3A_83 : memref<10016x32xf32, #tpu.memory_space<vmem_shared>>)
    %dma_wait3A_84 = arith.constant 1 : i32
    %dma_wait3A_85 = arith.constant 121 : i32
    %dma_wait3A_86 = arith.constant 0 : i32
    %dma_wait3A_87 = arith.constant 0 : i32
    %dma_wait3A_88 = tpu.memref_slice %arg8[%dma_wait3A_84, %dma_wait3A_86, %dma_wait3A_87] : memref<5x80x32xf32, #tpu.memory_space<vmem>> -> memref<1x80x32xf32, #tpu.memory_space<vmem>>
    %dma_wait3A_89 = tpu.memref_squeeze %dma_wait3A_88 : memref<1x80x32xf32, #tpu.memory_space<vmem>> -> memref<80x32xf32, #tpu.memory_space<vmem>>
    %dma_wait3A_90 = arith.constant 0 : i32
    %dma_wait3A_91 = tpu.memref_slice %arg7[%dma_wait3A_85, %dma_wait3A_90] : memref<125x80xi32, #tpu.memory_space<vmem>> -> memref<1x80xi32, #tpu.memory_space<vmem>>
    %dma_wait3A_92 = tpu.memref_squeeze %dma_wait3A_91 : memref<1x80xi32, #tpu.memory_space<vmem>> -> memref<80xi32, #tpu.memory_space<vmem>>
    %dma_wait3A_93 = arith.constant 0 : i32
    %dma_wait3A_94 = arith.constant 0 : i32
    %dma_wait3A_95 = tpu.memref_slice %arg9[%dma_wait3A_93, %dma_wait3A_94] : memref<10016x32xf32, #tpu.memory_space<vmem_shared>> -> memref<10016x32xf32, #tpu.memory_space<vmem_shared>>
    tpu.wait_indirect_dma semaphore(%arg17 : memref<!tpu.dma_semaphore, #tpu.memory_space<semaphore_mem>>) src(%dma_wait3A_89 : memref<80x32xf32, #tpu.memory_space<vmem>>) dst(%dma_wait3A_95 : memref<10016x32xf32, #tpu.memory_space<vmem_shared>>)
    %dma_wait3A_96 = arith.constant 2 : i32
    %dma_wait3A_97 = arith.constant 122 : i32
    %dma_wait3A_98 = arith.constant 0 : i32
    %dma_wait3A_99 = arith.constant 0 : i32
    %dma_wait3A_100 = tpu.memref_slice %arg8[%dma_wait3A_96, %dma_wait3A_98, %dma_wait3A_99] : memref<5x80x32xf32, #tpu.memory_space<vmem>> -> memref<1x80x32xf32, #tpu.memory_space<vmem>>
    %dma_wait3A_101 = tpu.memref_squeeze %dma_wait3A_100 : memref<1x80x32xf32, #tpu.memory_space<vmem>> -> memref<80x32xf32, #tpu.memory_space<vmem>>
    %dma_wait3A_102 = arith.constant 0 : i32
    %dma_wait3A_103 = tpu.memref_slice %arg7[%dma_wait3A_97, %dma_wait3A_102] : memref<125x80xi32, #tpu.memory_space<vmem>> -> memref<1x80xi32, #tpu.memory_space<vmem>>
    %dma_wait3A_104 = tpu.memref_squeeze %dma_wait3A_103 : memref<1x80xi32, #tpu.memory_space<vmem>> -> memref<80xi32, #tpu.memory_space<vmem>>
    %dma_wait3A_105 = arith.constant 0 : i32
    %dma_wait3A_106 = arith.constant 0 : i32
    %dma_wait3A_107 = tpu.memref_slice %arg9[%dma_wait3A_105, %dma_wait3A_106] : memref<10016x32xf32, #tpu.memory_space<vmem_shared>> -> memref<10016x32xf32, #tpu.memory_space<vmem_shared>>
    tpu.wait_indirect_dma semaphore(%arg18 : memref<!tpu.dma_semaphore, #tpu.memory_space<semaphore_mem>>) src(%dma_wait3A_101 : memref<80x32xf32, #tpu.memory_space<vmem>>) dst(%dma_wait3A_107 : memref<10016x32xf32, #tpu.memory_space<vmem_shared>>)
    %dma_wait3A_108 = arith.constant 3 : i32
    %dma_wait3A_109 = arith.constant 123 : i32
    %dma_wait3A_110 = arith.constant 0 : i32
    %dma_wait3A_111 = arith.constant 0 : i32
    %dma_wait3A_112 = tpu.memref_slice %arg8[%dma_wait3A_108, %dma_wait3A_110, %dma_wait3A_111] : memref<5x80x32xf32, #tpu.memory_space<vmem>> -> memref<1x80x32xf32, #tpu.memory_space<vmem>>
    %dma_wait3A_113 = tpu.memref_squeeze %dma_wait3A_112 : memref<1x80x32xf32, #tpu.memory_space<vmem>> -> memref<80x32xf32, #tpu.memory_space<vmem>>
    %dma_wait3A_114 = arith.constant 0 : i32
    %dma_wait3A_115 = tpu.memref_slice %arg7[%dma_wait3A_109, %dma_wait3A_114] : memref<125x80xi32, #tpu.memory_space<vmem>> -> memref<1x80xi32, #tpu.memory_space<vmem>>
    %dma_wait3A_116 = tpu.memref_squeeze %dma_wait3A_115 : memref<1x80xi32, #tpu.memory_space<vmem>> -> memref<80xi32, #tpu.memory_space<vmem>>
    %dma_wait3A_117 = arith.constant 0 : i32
    %dma_wait3A_118 = arith.constant 0 : i32
    %dma_wait3A_119 = tpu.memref_slice %arg9[%dma_wait3A_117, %dma_wait3A_118] : memref<10016x32xf32, #tpu.memory_space<vmem_shared>> -> memref<10016x32xf32, #tpu.memory_space<vmem_shared>>
    tpu.wait_indirect_dma semaphore(%arg19 : memref<!tpu.dma_semaphore, #tpu.memory_space<semaphore_mem>>) src(%dma_wait3A_113 : memref<80x32xf32, #tpu.memory_space<vmem>>) dst(%dma_wait3A_119 : memref<10016x32xf32, #tpu.memory_space<vmem_shared>>)
    %dma_wait3A_120 = arith.constant 4 : i32
    %dma_wait3A_121 = arith.constant 124 : i32
    %dma_wait3A_122 = arith.constant 0 : i32
    %dma_wait3A_123 = arith.constant 0 : i32
    %dma_wait3A_124 = tpu.memref_slice %arg8[%dma_wait3A_120, %dma_wait3A_122, %dma_wait3A_123] : memref<5x80x32xf32, #tpu.memory_space<vmem>> -> memref<1x80x32xf32, #tpu.memory_space<vmem>>
    %dma_wait3A_125 = tpu.memref_squeeze %dma_wait3A_124 : memref<1x80x32xf32, #tpu.memory_space<vmem>> -> memref<80x32xf32, #tpu.memory_space<vmem>>
    %dma_wait3A_126 = arith.constant 0 : i32
    %dma_wait3A_127 = tpu.memref_slice %arg7[%dma_wait3A_121, %dma_wait3A_126] : memref<125x80xi32, #tpu.memory_space<vmem>> -> memref<1x80xi32, #tpu.memory_space<vmem>>
    %dma_wait3A_128 = tpu.memref_squeeze %dma_wait3A_127 : memref<1x80xi32, #tpu.memory_space<vmem>> -> memref<80xi32, #tpu.memory_space<vmem>>
    %dma_wait3A_129 = arith.constant 0 : i32
    %dma_wait3A_130 = arith.constant 0 : i32
    %dma_wait3A_131 = tpu.memref_slice %arg9[%dma_wait3A_129, %dma_wait3A_130] : memref<10016x32xf32, #tpu.memory_space<vmem_shared>> -> memref<10016x32xf32, #tpu.memory_space<vmem_shared>>
    tpu.wait_indirect_dma semaphore(%arg20 : memref<!tpu.dma_semaphore, #tpu.memory_space<semaphore_mem>>) src(%dma_wait3A_125 : memref<80x32xf32, #tpu.memory_space<vmem>>) dst(%dma_wait3A_131 : memref<10016x32xf32, #tpu.memory_space<vmem_shared>>)
    %barrier3A_132 = arith.constant 0 : index
    tpu.barrier barrier_id(%barrier3A_132)
    %eq3A_133 = arith.constant 0 : i32
    %eq3A_134 = arith.cmpi eq, %arg1, %eq3A_133 : i32
    %convert_element_type3A_135 = arith.extui %eq3A_134 : i1 to i32
    %cond3A_136 = arith.constant 0 : i32
    %cond3A_137 = arith.cmpi ne, %convert_element_type3A_135, %cond3A_136 : i32
    scf.if %cond3A_137 {
      "tpu.region"() ({
        %run_scoped3A_138 = tpu.sem_alloc : memref<!tpu.dma_semaphore, #tpu.memory_space<semaphore_mem>>
        %dma_start3A_139 = arith.constant 0 : i32
        %dma_start3A_140 = arith.constant 0 : i32
        %dma_start3A_141 = tpu.memref_slice %arg5[%arg0, %dma_start3A_139, %dma_start3A_140] : memref<2x10016x32xf32, #tpu.memory_space<hbm>> -> memref<1x10016x32xf32, #tpu.memory_space<hbm>>
        %dma_start3A_142 = tpu.memref_squeeze %dma_start3A_141 : memref<1x10016x32xf32, #tpu.memory_space<hbm>> -> memref<10016x32xf32, #tpu.memory_space<hbm>>
        tpu.enqueue_dma source(%arg9 : memref<10016x32xf32, #tpu.memory_space<vmem_shared>>) target(%dma_start3A_142 : memref<10016x32xf32, #tpu.memory_space<hbm>>) target_semaphore(%run_scoped3A_138 : memref<!tpu.dma_semaphore, #tpu.memory_space<semaphore_mem>>)
        %dma_wait3A_143 = arith.constant 0 : i32
        %dma_wait3A_144 = arith.constant 0 : i32
        %dma_wait3A_145 = tpu.memref_slice %arg5[%arg0, %dma_wait3A_143, %dma_wait3A_144] : memref<2x10016x32xf32, #tpu.memory_space<hbm>> -> memref<1x10016x32xf32, #tpu.memory_space<hbm>>
        %dma_wait3A_146 = tpu.memref_squeeze %dma_wait3A_145 : memref<1x10016x32xf32, #tpu.memory_space<hbm>> -> memref<10016x32xf32, #tpu.memory_space<hbm>>
        tpu.wait_dma2 semaphore(%run_scoped3A_138 : memref<!tpu.dma_semaphore, #tpu.memory_space<semaphore_mem>>) src(%arg9 : memref<10016x32xf32, #tpu.memory_space<vmem_shared>>) dst(%dma_wait3A_146 : memref<10016x32xf32, #tpu.memory_space<hbm>>)
        tpu.yield
      }) : () -> ()
    } else {
    }
    return
  }
}

#map = affine_map<(d0, d1) -> (0, 0)>
#map1 = affine_map<(d0, d1) -> (0, 0, 0, 0)>
#map2 = affine_map<(d0, d1) -> (0, 0, 0)>
module attributes {stable_mosaic.version = 14 : i64} {
  func.func @_segsum_body(%arg0: i32, %arg1: i32, %arg2: memref<10016x32xf32, #tpu.memory_space<hbm>>, %arg3: memref<2x32x125x80xi32, #tpu.memory_space<hbm>>, %arg4: memref<10016x32xf32, #tpu.memory_space<hbm>>, %arg5: memref<2x10016x32xf32, #tpu.memory_space<hbm>>, %arg6: memref<125x80xi32, #tpu.memory_space<vmem>>, %arg7: memref<125x80xi32, #tpu.memory_space<vmem>>, %arg8: memref<5x80x32xf32, #tpu.memory_space<vmem>>, %arg9: memref<10016x32xf32, #tpu.memory_space<vmem_shared>>, %arg10: memref<10016x32xf32, #tpu.memory_space<vmem_shared>>, %arg11: memref<!tpu.dma_semaphore, #tpu.memory_space<semaphore_mem>>, %arg12: memref<!tpu.dma_semaphore, #tpu.memory_space<semaphore_mem>>, %arg13: memref<!tpu.dma_semaphore, #tpu.memory_space<semaphore_mem>>, %arg14: memref<!tpu.dma_semaphore, #tpu.memory_space<semaphore_mem>>, %arg15: memref<!tpu.dma_semaphore, #tpu.memory_space<semaphore_mem>>, %arg16: memref<!tpu.dma_semaphore, #tpu.memory_space<semaphore_mem>>, %arg17: memref<!tpu.dma_semaphore, #tpu.memory_space<semaphore_mem>>, %arg18: memref<!tpu.dma_semaphore, #tpu.memory_space<semaphore_mem>>, %arg19: memref<!tpu.dma_semaphore, #tpu.memory_space<semaphore_mem>>, %arg20: memref<!tpu.dma_semaphore, #tpu.memory_space<semaphore_mem>>) attributes {dimension_semantics = [#tpu.dimension_semantics<core_parallel>, #tpu.dimension_semantics<subcore_parallel>], iteration_bounds = array<i64: 2, 16>, scalar_prefetch = 0 : i64, scratch_operands = 15 : i64, tpu.core_type = #tpu.core_type<sc_vector_subcore>, window_params = [{transform_indices = #map}, {transform_indices = #map1}, {transform_indices = #map}, {transform_indices = #map2}]} {
    %mul3A = arith.constant 2 : i32
    %mul3A_0 = arith.muli %arg1, %mul3A : i32
    %add3A = arith.addi %mul3A_0, %arg0 : i32
    %eq3A = arith.constant 0 : i32
    %eq3A_1 = arith.cmpi eq, %arg1, %eq3A : i32
    %convert_element_type3A = arith.extui %eq3A_1 : i1 to i32
    %cond3A = arith.constant 0 : i32
    %cond3A_2 = arith.cmpi ne, %convert_element_type3A, %cond3A : i32
    scf.if %cond3A_2 {
      "tpu.region"() ({
        %run_scoped3A_138 = tpu.sem_alloc : memref<!tpu.dma_semaphore, #tpu.memory_space<semaphore_mem>>
        tpu.enqueue_dma source(%arg4 : memref<10016x32xf32, #tpu.memory_space<hbm>>) target(%arg9 : memref<10016x32xf32, #tpu.memory_space<vmem_shared>>) target_semaphore(%run_scoped3A_138 : memref<!tpu.dma_semaphore, #tpu.memory_space<semaphore_mem>>)
        tpu.wait_dma2 semaphore(%run_scoped3A_138 : memref<!tpu.dma_semaphore, #tpu.memory_space<semaphore_mem>>) src(%arg4 : memref<10016x32xf32, #tpu.memory_space<hbm>>) dst(%arg9 : memref<10016x32xf32, #tpu.memory_space<vmem_shared>>)
        tpu.yield
      }) : () -> ()
    } else {
    }
    %eq3A_3 = arith.constant 1 : i32
    %eq3A_4 = arith.cmpi eq, %arg1, %eq3A_3 : i32
    %convert_element_type3A_5 = arith.extui %eq3A_4 : i1 to i32
    %cond3A_6 = arith.constant 0 : i32
    %cond3A_7 = arith.cmpi ne, %convert_element_type3A_5, %cond3A_6 : i32
    scf.if %cond3A_7 {
      "tpu.region"() ({
        %run_scoped3A_138 = tpu.sem_alloc : memref<!tpu.dma_semaphore, #tpu.memory_space<semaphore_mem>>
        tpu.enqueue_dma source(%arg2 : memref<10016x32xf32, #tpu.memory_space<hbm>>) target(%arg10 : memref<10016x32xf32, #tpu.memory_space<vmem_shared>>) target_semaphore(%run_scoped3A_138 : memref<!tpu.dma_semaphore, #tpu.memory_space<semaphore_mem>>)
        tpu.wait_dma2 semaphore(%run_scoped3A_138 : memref<!tpu.dma_semaphore, #tpu.memory_space<semaphore_mem>>) src(%arg2 : memref<10016x32xf32, #tpu.memory_space<hbm>>) dst(%arg10 : memref<10016x32xf32, #tpu.memory_space<vmem_shared>>)
        tpu.yield
      }) : () -> ()
    } else {
    }
    %barrier3A = arith.constant 0 : index
    tpu.barrier barrier_id(%barrier3A)
    %run_scoped3A = arith.constant 0 : i32
    "tpu.region"() ({
      %run_scoped3A_138 = tpu.sem_alloc : memref<!tpu.dma_semaphore, #tpu.memory_space<semaphore_mem>>
      %dma_start3A_139 = arith.constant 0 : i32
      %dma_start3A_140 = arith.constant 0 : i32
      %dma_start3A_141 = tpu.memref_slice %arg3[%run_scoped3A, %add3A, %dma_start3A_139, %dma_start3A_140] : memref<2x32x125x80xi32, #tpu.memory_space<hbm>> -> memref<1x1x125x80xi32, #tpu.memory_space<hbm>>
      %dma_start3A_142 = tpu.memref_squeeze %dma_start3A_141 : memref<1x1x125x80xi32, #tpu.memory_space<hbm>> -> memref<125x80xi32, #tpu.memory_space<hbm>>
      %dma_start3A_143 = arith.constant 0 : i32
      %dma_start3A_144 = arith.constant 0 : i32
      %dma_start3A_145 = tpu.memref_slice %arg3[%run_scoped3A, %add3A, %dma_start3A_143, %dma_start3A_144] : memref<2x32x125x80xi32, #tpu.memory_space<hbm>> -> memref<1x1x125x80xi32, #tpu.memory_space<hbm>>
      %dma_start3A_146 = tpu.memref_squeeze %dma_start3A_145 : memref<1x1x125x80xi32, #tpu.memory_space<hbm>> -> memref<125x80xi32, #tpu.memory_space<hbm>>
      tpu.enqueue_dma source(%dma_start3A_146 : memref<125x80xi32, #tpu.memory_space<hbm>>) target(%arg6 : memref<125x80xi32, #tpu.memory_space<vmem>>) target_semaphore(%run_scoped3A_138 : memref<!tpu.dma_semaphore, #tpu.memory_space<semaphore_mem>>)
      %dma_wait3A_147 = arith.constant 0 : i32
      %dma_wait3A_148 = arith.constant 0 : i32
      %dma_wait3A_149 = tpu.memref_slice %arg3[%run_scoped3A, %add3A, %dma_wait3A_147, %dma_wait3A_148] : memref<2x32x125x80xi32, #tpu.memory_space<hbm>> -> memref<1x1x125x80xi32, #tpu.memory_space<hbm>>
      %dma_wait3A_150 = tpu.memref_squeeze %dma_wait3A_149 : memref<1x1x125x80xi32, #tpu.memory_space<hbm>> -> memref<125x80xi32, #tpu.memory_space<hbm>>
      %dma_wait3A_151 = arith.constant 0 : i32
      %dma_wait3A_152 = arith.constant 0 : i32
      %dma_wait3A_153 = tpu.memref_slice %arg3[%run_scoped3A, %add3A, %dma_wait3A_151, %dma_wait3A_152] : memref<2x32x125x80xi32, #tpu.memory_space<hbm>> -> memref<1x1x125x80xi32, #tpu.memory_space<hbm>>
      %dma_wait3A_154 = tpu.memref_squeeze %dma_wait3A_153 : memref<1x1x125x80xi32, #tpu.memory_space<hbm>> -> memref<125x80xi32, #tpu.memory_space<hbm>>
      tpu.wait_dma2 semaphore(%run_scoped3A_138 : memref<!tpu.dma_semaphore, #tpu.memory_space<semaphore_mem>>) src(%dma_wait3A_154 : memref<125x80xi32, #tpu.memory_space<hbm>>) dst(%arg6 : memref<125x80xi32, #tpu.memory_space<vmem>>)
      tpu.yield
    }) : () -> ()
    %run_scoped3A_8 = arith.constant 1 : i32
    "tpu.region"() ({
      %run_scoped3A_138 = tpu.sem_alloc : memref<!tpu.dma_semaphore, #tpu.memory_space<semaphore_mem>>
      %dma_start3A_139 = arith.constant 0 : i32
      %dma_start3A_140 = arith.constant 0 : i32
      %dma_start3A_141 = tpu.memref_slice %arg3[%run_scoped3A_8, %add3A, %dma_start3A_139, %dma_start3A_140] : memref<2x32x125x80xi32, #tpu.memory_space<hbm>> -> memref<1x1x125x80xi32, #tpu.memory_space<hbm>>
      %dma_start3A_142 = tpu.memref_squeeze %dma_start3A_141 : memref<1x1x125x80xi32, #tpu.memory_space<hbm>> -> memref<125x80xi32, #tpu.memory_space<hbm>>
      %dma_start3A_143 = arith.constant 0 : i32
      %dma_start3A_144 = arith.constant 0 : i32
      %dma_start3A_145 = tpu.memref_slice %arg3[%run_scoped3A_8, %add3A, %dma_start3A_143, %dma_start3A_144] : memref<2x32x125x80xi32, #tpu.memory_space<hbm>> -> memref<1x1x125x80xi32, #tpu.memory_space<hbm>>
      %dma_start3A_146 = tpu.memref_squeeze %dma_start3A_145 : memref<1x1x125x80xi32, #tpu.memory_space<hbm>> -> memref<125x80xi32, #tpu.memory_space<hbm>>
      tpu.enqueue_dma source(%dma_start3A_146 : memref<125x80xi32, #tpu.memory_space<hbm>>) target(%arg7 : memref<125x80xi32, #tpu.memory_space<vmem>>) target_semaphore(%run_scoped3A_138 : memref<!tpu.dma_semaphore, #tpu.memory_space<semaphore_mem>>)
      %dma_wait3A_147 = arith.constant 0 : i32
      %dma_wait3A_148 = arith.constant 0 : i32
      %dma_wait3A_149 = tpu.memref_slice %arg3[%run_scoped3A_8, %add3A, %dma_wait3A_147, %dma_wait3A_148] : memref<2x32x125x80xi32, #tpu.memory_space<hbm>> -> memref<1x1x125x80xi32, #tpu.memory_space<hbm>>
      %dma_wait3A_150 = tpu.memref_squeeze %dma_wait3A_149 : memref<1x1x125x80xi32, #tpu.memory_space<hbm>> -> memref<125x80xi32, #tpu.memory_space<hbm>>
      %dma_wait3A_151 = arith.constant 0 : i32
      %dma_wait3A_152 = arith.constant 0 : i32
      %dma_wait3A_153 = tpu.memref_slice %arg3[%run_scoped3A_8, %add3A, %dma_wait3A_151, %dma_wait3A_152] : memref<2x32x125x80xi32, #tpu.memory_space<hbm>> -> memref<1x1x125x80xi32, #tpu.memory_space<hbm>>
      %dma_wait3A_154 = tpu.memref_squeeze %dma_wait3A_153 : memref<1x1x125x80xi32, #tpu.memory_space<hbm>> -> memref<125x80xi32, #tpu.memory_space<hbm>>
      tpu.wait_dma2 semaphore(%run_scoped3A_138 : memref<!tpu.dma_semaphore, #tpu.memory_space<semaphore_mem>>) src(%dma_wait3A_154 : memref<125x80xi32, #tpu.memory_space<hbm>>) dst(%arg7 : memref<125x80xi32, #tpu.memory_space<vmem>>)
      tpu.yield
    }) : () -> ()
    %dma_start3A = arith.constant 0 : i32
    %dma_start3A_9 = arith.constant 0 : i32
    %dma_start3A_10 = arith.constant 0 : i32
    %dma_start3A_11 = arith.constant 0 : i32
    %dma_start3A_12 = tpu.memref_slice %arg8[%dma_start3A_9, %dma_start3A_10, %dma_start3A_11] : memref<5x80x32xf32, #tpu.memory_space<vmem>> -> memref<1x80x32xf32, #tpu.memory_space<vmem>>
    %dma_start3A_13 = tpu.memref_squeeze %dma_start3A_12 : memref<1x80x32xf32, #tpu.memory_space<vmem>> -> memref<80x32xf32, #tpu.memory_space<vmem>>
    %dma_start3A_14 = arith.constant 0 : i32
    %dma_start3A_15 = tpu.memref_slice %arg6[%dma_start3A, %dma_start3A_14] : memref<125x80xi32, #tpu.memory_space<vmem>> -> memref<1x80xi32, #tpu.memory_space<vmem>>
    %dma_start3A_16 = tpu.memref_squeeze %dma_start3A_15 : memref<1x80xi32, #tpu.memory_space<vmem>> -> memref<80xi32, #tpu.memory_space<vmem>>
    %dma_start3A_17 = arith.constant 0 : i32
    %dma_start3A_18 = arith.constant 0 : i32
    %dma_start3A_19 = tpu.memref_slice %arg10[%dma_start3A_17, %dma_start3A_18] : memref<10016x32xf32, #tpu.memory_space<vmem_shared>> -> memref<10016x32xf32, #tpu.memory_space<vmem_shared>>
    tpu.enqueue_indirect_dma source(%dma_start3A_19 : memref<10016x32xf32, #tpu.memory_space<vmem_shared>>) target(%dma_start3A_13 : memref<80x32xf32, #tpu.memory_space<vmem>>) offsets(%dma_start3A_16 : memref<80xi32, #tpu.memory_space<vmem>>) semaphore(%arg11 : memref<!tpu.dma_semaphore, #tpu.memory_space<semaphore_mem>>)
    %dma_start3A_20 = arith.constant 1 : i32
    %dma_start3A_21 = arith.constant 1 : i32
    %dma_start3A_22 = arith.constant 0 : i32
    %dma_start3A_23 = arith.constant 0 : i32
    %dma_start3A_24 = tpu.memref_slice %arg8[%dma_start3A_21, %dma_start3A_22, %dma_start3A_23] : memref<5x80x32xf32, #tpu.memory_space<vmem>> -> memref<1x80x32xf32, #tpu.memory_space<vmem>>
    %dma_start3A_25 = tpu.memref_squeeze %dma_start3A_24 : memref<1x80x32xf32, #tpu.memory_space<vmem>> -> memref<80x32xf32, #tpu.memory_space<vmem>>
    %dma_start3A_26 = arith.constant 0 : i32
    %dma_start3A_27 = tpu.memref_slice %arg6[%dma_start3A_20, %dma_start3A_26] : memref<125x80xi32, #tpu.memory_space<vmem>> -> memref<1x80xi32, #tpu.memory_space<vmem>>
    %dma_start3A_28 = tpu.memref_squeeze %dma_start3A_27 : memref<1x80xi32, #tpu.memory_space<vmem>> -> memref<80xi32, #tpu.memory_space<vmem>>
    %dma_start3A_29 = arith.constant 0 : i32
    %dma_start3A_30 = arith.constant 0 : i32
    %dma_start3A_31 = tpu.memref_slice %arg10[%dma_start3A_29, %dma_start3A_30] : memref<10016x32xf32, #tpu.memory_space<vmem_shared>> -> memref<10016x32xf32, #tpu.memory_space<vmem_shared>>
    tpu.enqueue_indirect_dma source(%dma_start3A_31 : memref<10016x32xf32, #tpu.memory_space<vmem_shared>>) target(%dma_start3A_25 : memref<80x32xf32, #tpu.memory_space<vmem>>) offsets(%dma_start3A_28 : memref<80xi32, #tpu.memory_space<vmem>>) semaphore(%arg12 : memref<!tpu.dma_semaphore, #tpu.memory_space<semaphore_mem>>)
    %dma_start3A_32 = arith.constant 2 : i32
    %dma_start3A_33 = arith.constant 2 : i32
    %dma_start3A_34 = arith.constant 0 : i32
    %dma_start3A_35 = arith.constant 0 : i32
    %dma_start3A_36 = tpu.memref_slice %arg8[%dma_start3A_33, %dma_start3A_34, %dma_start3A_35] : memref<5x80x32xf32, #tpu.memory_space<vmem>> -> memref<1x80x32xf32, #tpu.memory_space<vmem>>
    %dma_start3A_37 = tpu.memref_squeeze %dma_start3A_36 : memref<1x80x32xf32, #tpu.memory_space<vmem>> -> memref<80x32xf32, #tpu.memory_space<vmem>>
    %dma_start3A_38 = arith.constant 0 : i32
    %dma_start3A_39 = tpu.memref_slice %arg6[%dma_start3A_32, %dma_start3A_38] : memref<125x80xi32, #tpu.memory_space<vmem>> -> memref<1x80xi32, #tpu.memory_space<vmem>>
    %dma_start3A_40 = tpu.memref_squeeze %dma_start3A_39 : memref<1x80xi32, #tpu.memory_space<vmem>> -> memref<80xi32, #tpu.memory_space<vmem>>
    %dma_start3A_41 = arith.constant 0 : i32
    %dma_start3A_42 = arith.constant 0 : i32
    %dma_start3A_43 = tpu.memref_slice %arg10[%dma_start3A_41, %dma_start3A_42] : memref<10016x32xf32, #tpu.memory_space<vmem_shared>> -> memref<10016x32xf32, #tpu.memory_space<vmem_shared>>
    tpu.enqueue_indirect_dma source(%dma_start3A_43 : memref<10016x32xf32, #tpu.memory_space<vmem_shared>>) target(%dma_start3A_37 : memref<80x32xf32, #tpu.memory_space<vmem>>) offsets(%dma_start3A_40 : memref<80xi32, #tpu.memory_space<vmem>>) semaphore(%arg13 : memref<!tpu.dma_semaphore, #tpu.memory_space<semaphore_mem>>)
    %dma_start3A_44 = arith.constant 3 : i32
    %dma_start3A_45 = arith.constant 3 : i32
    %dma_start3A_46 = arith.constant 0 : i32
    %dma_start3A_47 = arith.constant 0 : i32
    %dma_start3A_48 = tpu.memref_slice %arg8[%dma_start3A_45, %dma_start3A_46, %dma_start3A_47] : memref<5x80x32xf32, #tpu.memory_space<vmem>> -> memref<1x80x32xf32, #tpu.memory_space<vmem>>
    %dma_start3A_49 = tpu.memref_squeeze %dma_start3A_48 : memref<1x80x32xf32, #tpu.memory_space<vmem>> -> memref<80x32xf32, #tpu.memory_space<vmem>>
    %dma_start3A_50 = arith.constant 0 : i32
    %dma_start3A_51 = tpu.memref_slice %arg6[%dma_start3A_44, %dma_start3A_50] : memref<125x80xi32, #tpu.memory_space<vmem>> -> memref<1x80xi32, #tpu.memory_space<vmem>>
    %dma_start3A_52 = tpu.memref_squeeze %dma_start3A_51 : memref<1x80xi32, #tpu.memory_space<vmem>> -> memref<80xi32, #tpu.memory_space<vmem>>
    %dma_start3A_53 = arith.constant 0 : i32
    %dma_start3A_54 = arith.constant 0 : i32
    %dma_start3A_55 = tpu.memref_slice %arg10[%dma_start3A_53, %dma_start3A_54] : memref<10016x32xf32, #tpu.memory_space<vmem_shared>> -> memref<10016x32xf32, #tpu.memory_space<vmem_shared>>
    tpu.enqueue_indirect_dma source(%dma_start3A_55 : memref<10016x32xf32, #tpu.memory_space<vmem_shared>>) target(%dma_start3A_49 : memref<80x32xf32, #tpu.memory_space<vmem>>) offsets(%dma_start3A_52 : memref<80xi32, #tpu.memory_space<vmem>>) semaphore(%arg14 : memref<!tpu.dma_semaphore, #tpu.memory_space<semaphore_mem>>)
    %dma_start3A_56 = arith.constant 4 : i32
    %dma_start3A_57 = arith.constant 4 : i32
    %dma_start3A_58 = arith.constant 0 : i32
    %dma_start3A_59 = arith.constant 0 : i32
    %dma_start3A_60 = tpu.memref_slice %arg8[%dma_start3A_57, %dma_start3A_58, %dma_start3A_59] : memref<5x80x32xf32, #tpu.memory_space<vmem>> -> memref<1x80x32xf32, #tpu.memory_space<vmem>>
    %dma_start3A_61 = tpu.memref_squeeze %dma_start3A_60 : memref<1x80x32xf32, #tpu.memory_space<vmem>> -> memref<80x32xf32, #tpu.memory_space<vmem>>
    %dma_start3A_62 = arith.constant 0 : i32
    %dma_start3A_63 = tpu.memref_slice %arg6[%dma_start3A_56, %dma_start3A_62] : memref<125x80xi32, #tpu.memory_space<vmem>> -> memref<1x80xi32, #tpu.memory_space<vmem>>
    %dma_start3A_64 = tpu.memref_squeeze %dma_start3A_63 : memref<1x80xi32, #tpu.memory_space<vmem>> -> memref<80xi32, #tpu.memory_space<vmem>>
    %dma_start3A_65 = arith.constant 0 : i32
    %dma_start3A_66 = arith.constant 0 : i32
    %dma_start3A_67 = tpu.memref_slice %arg10[%dma_start3A_65, %dma_start3A_66] : memref<10016x32xf32, #tpu.memory_space<vmem_shared>> -> memref<10016x32xf32, #tpu.memory_space<vmem_shared>>
    tpu.enqueue_indirect_dma source(%dma_start3A_67 : memref<10016x32xf32, #tpu.memory_space<vmem_shared>>) target(%dma_start3A_61 : memref<80x32xf32, #tpu.memory_space<vmem>>) offsets(%dma_start3A_64 : memref<80xi32, #tpu.memory_space<vmem>>) semaphore(%arg15 : memref<!tpu.dma_semaphore, #tpu.memory_space<semaphore_mem>>)
    %scan3A = arith.constant 0 : i32
    %scan3A_68 = arith.constant 0 : i32
    %scan3A_69 = arith.constant 25 : i32
    %scan3A_70 = arith.addi %scan3A_68, %scan3A_69 : i32
    %scan3A_71 = arith.constant 1 : i32
    scf.for %scan3A_138 = %scan3A_68 to %scan3A_70 step %scan3A_71  : i32 {
      %mul3A_139 = arith.constant 5 : i32
      %mul3A_140 = arith.muli %scan3A_138, %mul3A_139 : i32
      %add3A_141 = arith.constant 0 : i32
      %add3A_142 = arith.addi %mul3A_140, %add3A_141 : i32
      %sub3A = arith.constant 1 : i32
      %sub3A_143 = arith.subi %add3A_142, %sub3A : i32
      %ge3A = arith.constant 0 : i32
      %ge3A_144 = arith.cmpi sge, %sub3A_143, %ge3A : i32
      %add3A_145 = arith.constant 5 : i32
      %add3A_146 = arith.addi %sub3A_143, %add3A_145 : i32
      %lt3A = arith.constant 125 : i32
      %lt3A_147 = arith.cmpi slt, %add3A_146, %lt3A : i32
      %and3A = arith.andi %ge3A_144, %lt3A_147 : i1
      %convert_element_type3A_148 = arith.extui %and3A : i1 to i32
      %cond3A_149 = arith.constant 0 : i32
      %cond3A_150 = arith.cmpi ne, %convert_element_type3A_148, %cond3A_149 : i32
      scf.if %cond3A_150 {
        %dma_wait3A_325 = arith.constant 4 : i32
        %dma_wait3A_326 = arith.constant 0 : i32
        %dma_wait3A_327 = arith.constant 0 : i32
        %dma_wait3A_328 = tpu.memref_slice %arg8[%dma_wait3A_325, %dma_wait3A_326, %dma_wait3A_327] : memref<5x80x32xf32, #tpu.memory_space<vmem>> -> memref<1x80x32xf32, #tpu.memory_space<vmem>>
        %dma_wait3A_329 = tpu.memref_squeeze %dma_wait3A_328 : memref<1x80x32xf32, #tpu.memory_space<vmem>> -> memref<80x32xf32, #tpu.memory_space<vmem>>
        %dma_wait3A_330 = arith.constant 0 : i32
        %dma_wait3A_331 = tpu.memref_slice %arg7[%sub3A_143, %dma_wait3A_330] : memref<125x80xi32, #tpu.memory_space<vmem>> -> memref<1x80xi32, #tpu.memory_space<vmem>>
        %dma_wait3A_332 = tpu.memref_squeeze %dma_wait3A_331 : memref<1x80xi32, #tpu.memory_space<vmem>> -> memref<80xi32, #tpu.memory_space<vmem>>
        %dma_wait3A_333 = arith.constant 0 : i32
        %dma_wait3A_334 = arith.constant 0 : i32
        %dma_wait3A_335 = tpu.memref_slice %arg9[%dma_wait3A_333, %dma_wait3A_334] : memref<10016x32xf32, #tpu.memory_space<vmem_shared>> -> memref<10016x32xf32, #tpu.memory_space<vmem_shared>>
        tpu.wait_indirect_dma semaphore(%arg20 : memref<!tpu.dma_semaphore, #tpu.memory_space<semaphore_mem>>) src(%dma_wait3A_329 : memref<80x32xf32, #tpu.memory_space<vmem>>) dst(%dma_wait3A_335 : memref<10016x32xf32, #tpu.memory_space<vmem_shared>>)
        %add3A_336 = arith.constant 5 : i32
        %add3A_337 = arith.addi %sub3A_143, %add3A_336 : i32
        %dma_start3A_338 = arith.constant 4 : i32
        %dma_start3A_339 = arith.constant 0 : i32
        %dma_start3A_340 = arith.constant 0 : i32
        %dma_start3A_341 = tpu.memref_slice %arg8[%dma_start3A_338, %dma_start3A_339, %dma_start3A_340] : memref<5x80x32xf32, #tpu.memory_space<vmem>> -> memref<1x80x32xf32, #tpu.memory_space<vmem>>
        %dma_start3A_342 = tpu.memref_squeeze %dma_start3A_341 : memref<1x80x32xf32, #tpu.memory_space<vmem>> -> memref<80x32xf32, #tpu.memory_space<vmem>>
        %dma_start3A_343 = arith.constant 0 : i32
        %dma_start3A_344 = tpu.memref_slice %arg6[%add3A_337, %dma_start3A_343] : memref<125x80xi32, #tpu.memory_space<vmem>> -> memref<1x80xi32, #tpu.memory_space<vmem>>
        %dma_start3A_345 = tpu.memref_squeeze %dma_start3A_344 : memref<1x80xi32, #tpu.memory_space<vmem>> -> memref<80xi32, #tpu.memory_space<vmem>>
        %dma_start3A_346 = arith.constant 0 : i32
        %dma_start3A_347 = arith.constant 0 : i32
        %dma_start3A_348 = tpu.memref_slice %arg10[%dma_start3A_346, %dma_start3A_347] : memref<10016x32xf32, #tpu.memory_space<vmem_shared>> -> memref<10016x32xf32, #tpu.memory_space<vmem_shared>>
        tpu.enqueue_indirect_dma source(%dma_start3A_348 : memref<10016x32xf32, #tpu.memory_space<vmem_shared>>) target(%dma_start3A_342 : memref<80x32xf32, #tpu.memory_space<vmem>>) offsets(%dma_start3A_345 : memref<80xi32, #tpu.memory_space<vmem>>) semaphore(%arg15 : memref<!tpu.dma_semaphore, #tpu.memory_space<semaphore_mem>>)
      } else {
      }
      %dma_wait3A_151 = arith.constant 0 : i32
      %dma_wait3A_152 = arith.constant 0 : i32
      %dma_wait3A_153 = arith.constant 0 : i32
      %dma_wait3A_154 = tpu.memref_slice %arg8[%dma_wait3A_151, %dma_wait3A_152, %dma_wait3A_153] : memref<5x80x32xf32, #tpu.memory_space<vmem>> -> memref<1x80x32xf32, #tpu.memory_space<vmem>>
      %dma_wait3A_155 = tpu.memref_squeeze %dma_wait3A_154 : memref<1x80x32xf32, #tpu.memory_space<vmem>> -> memref<80x32xf32, #tpu.memory_space<vmem>>
      %dma_wait3A_156 = arith.constant 0 : i32
      %dma_wait3A_157 = tpu.memref_slice %arg6[%add3A_142, %dma_wait3A_156] : memref<125x80xi32, #tpu.memory_space<vmem>> -> memref<1x80xi32, #tpu.memory_space<vmem>>
      %dma_wait3A_158 = tpu.memref_squeeze %dma_wait3A_157 : memref<1x80xi32, #tpu.memory_space<vmem>> -> memref<80xi32, #tpu.memory_space<vmem>>
      %dma_wait3A_159 = arith.constant 0 : i32
      %dma_wait3A_160 = arith.constant 0 : i32
      %dma_wait3A_161 = tpu.memref_slice %arg10[%dma_wait3A_159, %dma_wait3A_160] : memref<10016x32xf32, #tpu.memory_space<vmem_shared>> -> memref<10016x32xf32, #tpu.memory_space<vmem_shared>>
      tpu.wait_indirect_dma semaphore(%arg11 : memref<!tpu.dma_semaphore, #tpu.memory_space<semaphore_mem>>) src(%dma_wait3A_161 : memref<10016x32xf32, #tpu.memory_space<vmem_shared>>) dst(%dma_wait3A_155 : memref<80x32xf32, #tpu.memory_space<vmem>>)
      %dma_start3A_162 = arith.constant 0 : i32
      %dma_start3A_163 = arith.constant 0 : i32
      %dma_start3A_164 = arith.constant 0 : i32
      %dma_start3A_165 = tpu.memref_slice %arg8[%dma_start3A_162, %dma_start3A_163, %dma_start3A_164] : memref<5x80x32xf32, #tpu.memory_space<vmem>> -> memref<1x80x32xf32, #tpu.memory_space<vmem>>
      %dma_start3A_166 = tpu.memref_squeeze %dma_start3A_165 : memref<1x80x32xf32, #tpu.memory_space<vmem>> -> memref<80x32xf32, #tpu.memory_space<vmem>>
      %dma_start3A_167 = arith.constant 0 : i32
      %dma_start3A_168 = tpu.memref_slice %arg7[%add3A_142, %dma_start3A_167] : memref<125x80xi32, #tpu.memory_space<vmem>> -> memref<1x80xi32, #tpu.memory_space<vmem>>
      %dma_start3A_169 = tpu.memref_squeeze %dma_start3A_168 : memref<1x80xi32, #tpu.memory_space<vmem>> -> memref<80xi32, #tpu.memory_space<vmem>>
      %dma_start3A_170 = arith.constant 0 : i32
      %dma_start3A_171 = arith.constant 0 : i32
      %dma_start3A_172 = tpu.memref_slice %arg9[%dma_start3A_170, %dma_start3A_171] : memref<10016x32xf32, #tpu.memory_space<vmem_shared>> -> memref<10016x32xf32, #tpu.memory_space<vmem_shared>>
      tpu.enqueue_indirect_dma source(%dma_start3A_166 : memref<80x32xf32, #tpu.memory_space<vmem>>) target(%dma_start3A_172 : memref<10016x32xf32, #tpu.memory_space<vmem_shared>>) offsets(%dma_start3A_169 : memref<80xi32, #tpu.memory_space<vmem>>) semaphore(%arg16 : memref<!tpu.dma_semaphore, #tpu.memory_space<semaphore_mem>>) {add = true}
      %mul3A_173 = arith.constant 5 : i32
      %mul3A_174 = arith.muli %scan3A_138, %mul3A_173 : i32
      %add3A_175 = arith.constant 1 : i32
      %add3A_176 = arith.addi %mul3A_174, %add3A_175 : i32
      %sub3A_177 = arith.constant 1 : i32
      %sub3A_178 = arith.subi %add3A_176, %sub3A_177 : i32
      %ge3A_179 = arith.constant 0 : i32
      %ge3A_180 = arith.cmpi sge, %sub3A_178, %ge3A_179 : i32
      %add3A_181 = arith.constant 5 : i32
      %add3A_182 = arith.addi %sub3A_178, %add3A_181 : i32
      %lt3A_183 = arith.constant 125 : i32
      %lt3A_184 = arith.cmpi slt, %add3A_182, %lt3A_183 : i32
      %and3A_185 = arith.andi %ge3A_180, %lt3A_184 : i1
      %convert_element_type3A_186 = arith.extui %and3A_185 : i1 to i32
      %cond3A_187 = arith.constant 0 : i32
      %cond3A_188 = arith.cmpi ne, %convert_element_type3A_186, %cond3A_187 : i32
      scf.if %cond3A_188 {
        %dma_wait3A_325 = arith.constant 0 : i32
        %dma_wait3A_326 = arith.constant 0 : i32
        %dma_wait3A_327 = arith.constant 0 : i32
        %dma_wait3A_328 = tpu.memref_slice %arg8[%dma_wait3A_325, %dma_wait3A_326, %dma_wait3A_327] : memref<5x80x32xf32, #tpu.memory_space<vmem>> -> memref<1x80x32xf32, #tpu.memory_space<vmem>>
        %dma_wait3A_329 = tpu.memref_squeeze %dma_wait3A_328 : memref<1x80x32xf32, #tpu.memory_space<vmem>> -> memref<80x32xf32, #tpu.memory_space<vmem>>
        %dma_wait3A_330 = arith.constant 0 : i32
        %dma_wait3A_331 = tpu.memref_slice %arg7[%sub3A_178, %dma_wait3A_330] : memref<125x80xi32, #tpu.memory_space<vmem>> -> memref<1x80xi32, #tpu.memory_space<vmem>>
        %dma_wait3A_332 = tpu.memref_squeeze %dma_wait3A_331 : memref<1x80xi32, #tpu.memory_space<vmem>> -> memref<80xi32, #tpu.memory_space<vmem>>
        %dma_wait3A_333 = arith.constant 0 : i32
        %dma_wait3A_334 = arith.constant 0 : i32
        %dma_wait3A_335 = tpu.memref_slice %arg9[%dma_wait3A_333, %dma_wait3A_334] : memref<10016x32xf32, #tpu.memory_space<vmem_shared>> -> memref<10016x32xf32, #tpu.memory_space<vmem_shared>>
        tpu.wait_indirect_dma semaphore(%arg16 : memref<!tpu.dma_semaphore, #tpu.memory_space<semaphore_mem>>) src(%dma_wait3A_329 : memref<80x32xf32, #tpu.memory_space<vmem>>) dst(%dma_wait3A_335 : memref<10016x32xf32, #tpu.memory_space<vmem_shared>>)
        %add3A_336 = arith.constant 5 : i32
        %add3A_337 = arith.addi %sub3A_178, %add3A_336 : i32
        %dma_start3A_338 = arith.constant 0 : i32
        %dma_start3A_339 = arith.constant 0 : i32
        %dma_start3A_340 = arith.constant 0 : i32
        %dma_start3A_341 = tpu.memref_slice %arg8[%dma_start3A_338, %dma_start3A_339, %dma_start3A_340] : memref<5x80x32xf32, #tpu.memory_space<vmem>> -> memref<1x80x32xf32, #tpu.memory_space<vmem>>
        %dma_start3A_342 = tpu.memref_squeeze %dma_start3A_341 : memref<1x80x32xf32, #tpu.memory_space<vmem>> -> memref<80x32xf32, #tpu.memory_space<vmem>>
        %dma_start3A_343 = arith.constant 0 : i32
        %dma_start3A_344 = tpu.memref_slice %arg6[%add3A_337, %dma_start3A_343] : memref<125x80xi32, #tpu.memory_space<vmem>> -> memref<1x80xi32, #tpu.memory_space<vmem>>
        %dma_start3A_345 = tpu.memref_squeeze %dma_start3A_344 : memref<1x80xi32, #tpu.memory_space<vmem>> -> memref<80xi32, #tpu.memory_space<vmem>>
        %dma_start3A_346 = arith.constant 0 : i32
        %dma_start3A_347 = arith.constant 0 : i32
        %dma_start3A_348 = tpu.memref_slice %arg10[%dma_start3A_346, %dma_start3A_347] : memref<10016x32xf32, #tpu.memory_space<vmem_shared>> -> memref<10016x32xf32, #tpu.memory_space<vmem_shared>>
        tpu.enqueue_indirect_dma source(%dma_start3A_348 : memref<10016x32xf32, #tpu.memory_space<vmem_shared>>) target(%dma_start3A_342 : memref<80x32xf32, #tpu.memory_space<vmem>>) offsets(%dma_start3A_345 : memref<80xi32, #tpu.memory_space<vmem>>) semaphore(%arg11 : memref<!tpu.dma_semaphore, #tpu.memory_space<semaphore_mem>>)
      } else {
      }
      %dma_wait3A_189 = arith.constant 1 : i32
      %dma_wait3A_190 = arith.constant 0 : i32
      %dma_wait3A_191 = arith.constant 0 : i32
      %dma_wait3A_192 = tpu.memref_slice %arg8[%dma_wait3A_189, %dma_wait3A_190, %dma_wait3A_191] : memref<5x80x32xf32, #tpu.memory_space<vmem>> -> memref<1x80x32xf32, #tpu.memory_space<vmem>>
      %dma_wait3A_193 = tpu.memref_squeeze %dma_wait3A_192 : memref<1x80x32xf32, #tpu.memory_space<vmem>> -> memref<80x32xf32, #tpu.memory_space<vmem>>
      %dma_wait3A_194 = arith.constant 0 : i32
      %dma_wait3A_195 = tpu.memref_slice %arg6[%add3A_176, %dma_wait3A_194] : memref<125x80xi32, #tpu.memory_space<vmem>> -> memref<1x80xi32, #tpu.memory_space<vmem>>
      %dma_wait3A_196 = tpu.memref_squeeze %dma_wait3A_195 : memref<1x80xi32, #tpu.memory_space<vmem>> -> memref<80xi32, #tpu.memory_space<vmem>>
      %dma_wait3A_197 = arith.constant 0 : i32
      %dma_wait3A_198 = arith.constant 0 : i32
      %dma_wait3A_199 = tpu.memref_slice %arg10[%dma_wait3A_197, %dma_wait3A_198] : memref<10016x32xf32, #tpu.memory_space<vmem_shared>> -> memref<10016x32xf32, #tpu.memory_space<vmem_shared>>
      tpu.wait_indirect_dma semaphore(%arg12 : memref<!tpu.dma_semaphore, #tpu.memory_space<semaphore_mem>>) src(%dma_wait3A_199 : memref<10016x32xf32, #tpu.memory_space<vmem_shared>>) dst(%dma_wait3A_193 : memref<80x32xf32, #tpu.memory_space<vmem>>)
      %dma_start3A_200 = arith.constant 1 : i32
      %dma_start3A_201 = arith.constant 0 : i32
      %dma_start3A_202 = arith.constant 0 : i32
      %dma_start3A_203 = tpu.memref_slice %arg8[%dma_start3A_200, %dma_start3A_201, %dma_start3A_202] : memref<5x80x32xf32, #tpu.memory_space<vmem>> -> memref<1x80x32xf32, #tpu.memory_space<vmem>>
      %dma_start3A_204 = tpu.memref_squeeze %dma_start3A_203 : memref<1x80x32xf32, #tpu.memory_space<vmem>> -> memref<80x32xf32, #tpu.memory_space<vmem>>
      %dma_start3A_205 = arith.constant 0 : i32
      %dma_start3A_206 = tpu.memref_slice %arg7[%add3A_176, %dma_start3A_205] : memref<125x80xi32, #tpu.memory_space<vmem>> -> memref<1x80xi32, #tpu.memory_space<vmem>>
      %dma_start3A_207 = tpu.memref_squeeze %dma_start3A_206 : memref<1x80xi32, #tpu.memory_space<vmem>> -> memref<80xi32, #tpu.memory_space<vmem>>
      %dma_start3A_208 = arith.constant 0 : i32
      %dma_start3A_209 = arith.constant 0 : i32
      %dma_start3A_210 = tpu.memref_slice %arg9[%dma_start3A_208, %dma_start3A_209] : memref<10016x32xf32, #tpu.memory_space<vmem_shared>> -> memref<10016x32xf32, #tpu.memory_space<vmem_shared>>
      tpu.enqueue_indirect_dma source(%dma_start3A_204 : memref<80x32xf32, #tpu.memory_space<vmem>>) target(%dma_start3A_210 : memref<10016x32xf32, #tpu.memory_space<vmem_shared>>) offsets(%dma_start3A_207 : memref<80xi32, #tpu.memory_space<vmem>>) semaphore(%arg17 : memref<!tpu.dma_semaphore, #tpu.memory_space<semaphore_mem>>) {add = true}
      %mul3A_211 = arith.constant 5 : i32
      %mul3A_212 = arith.muli %scan3A_138, %mul3A_211 : i32
      %add3A_213 = arith.constant 2 : i32
      %add3A_214 = arith.addi %mul3A_212, %add3A_213 : i32
      %sub3A_215 = arith.constant 1 : i32
      %sub3A_216 = arith.subi %add3A_214, %sub3A_215 : i32
      %ge3A_217 = arith.constant 0 : i32
      %ge3A_218 = arith.cmpi sge, %sub3A_216, %ge3A_217 : i32
      %add3A_219 = arith.constant 5 : i32
      %add3A_220 = arith.addi %sub3A_216, %add3A_219 : i32
      %lt3A_221 = arith.constant 125 : i32
      %lt3A_222 = arith.cmpi slt, %add3A_220, %lt3A_221 : i32
      %and3A_223 = arith.andi %ge3A_218, %lt3A_222 : i1
      %convert_element_type3A_224 = arith.extui %and3A_223 : i1 to i32
      %cond3A_225 = arith.constant 0 : i32
      %cond3A_226 = arith.cmpi ne, %convert_element_type3A_224, %cond3A_225 : i32
      scf.if %cond3A_226 {
        %dma_wait3A_325 = arith.constant 1 : i32
        %dma_wait3A_326 = arith.constant 0 : i32
        %dma_wait3A_327 = arith.constant 0 : i32
        %dma_wait3A_328 = tpu.memref_slice %arg8[%dma_wait3A_325, %dma_wait3A_326, %dma_wait3A_327] : memref<5x80x32xf32, #tpu.memory_space<vmem>> -> memref<1x80x32xf32, #tpu.memory_space<vmem>>
        %dma_wait3A_329 = tpu.memref_squeeze %dma_wait3A_328 : memref<1x80x32xf32, #tpu.memory_space<vmem>> -> memref<80x32xf32, #tpu.memory_space<vmem>>
        %dma_wait3A_330 = arith.constant 0 : i32
        %dma_wait3A_331 = tpu.memref_slice %arg7[%sub3A_216, %dma_wait3A_330] : memref<125x80xi32, #tpu.memory_space<vmem>> -> memref<1x80xi32, #tpu.memory_space<vmem>>
        %dma_wait3A_332 = tpu.memref_squeeze %dma_wait3A_331 : memref<1x80xi32, #tpu.memory_space<vmem>> -> memref<80xi32, #tpu.memory_space<vmem>>
        %dma_wait3A_333 = arith.constant 0 : i32
        %dma_wait3A_334 = arith.constant 0 : i32
        %dma_wait3A_335 = tpu.memref_slice %arg9[%dma_wait3A_333, %dma_wait3A_334] : memref<10016x32xf32, #tpu.memory_space<vmem_shared>> -> memref<10016x32xf32, #tpu.memory_space<vmem_shared>>
        tpu.wait_indirect_dma semaphore(%arg17 : memref<!tpu.dma_semaphore, #tpu.memory_space<semaphore_mem>>) src(%dma_wait3A_329 : memref<80x32xf32, #tpu.memory_space<vmem>>) dst(%dma_wait3A_335 : memref<10016x32xf32, #tpu.memory_space<vmem_shared>>)
        %add3A_336 = arith.constant 5 : i32
        %add3A_337 = arith.addi %sub3A_216, %add3A_336 : i32
        %dma_start3A_338 = arith.constant 1 : i32
        %dma_start3A_339 = arith.constant 0 : i32
        %dma_start3A_340 = arith.constant 0 : i32
        %dma_start3A_341 = tpu.memref_slice %arg8[%dma_start3A_338, %dma_start3A_339, %dma_start3A_340] : memref<5x80x32xf32, #tpu.memory_space<vmem>> -> memref<1x80x32xf32, #tpu.memory_space<vmem>>
        %dma_start3A_342 = tpu.memref_squeeze %dma_start3A_341 : memref<1x80x32xf32, #tpu.memory_space<vmem>> -> memref<80x32xf32, #tpu.memory_space<vmem>>
        %dma_start3A_343 = arith.constant 0 : i32
        %dma_start3A_344 = tpu.memref_slice %arg6[%add3A_337, %dma_start3A_343] : memref<125x80xi32, #tpu.memory_space<vmem>> -> memref<1x80xi32, #tpu.memory_space<vmem>>
        %dma_start3A_345 = tpu.memref_squeeze %dma_start3A_344 : memref<1x80xi32, #tpu.memory_space<vmem>> -> memref<80xi32, #tpu.memory_space<vmem>>
        %dma_start3A_346 = arith.constant 0 : i32
        %dma_start3A_347 = arith.constant 0 : i32
        %dma_start3A_348 = tpu.memref_slice %arg10[%dma_start3A_346, %dma_start3A_347] : memref<10016x32xf32, #tpu.memory_space<vmem_shared>> -> memref<10016x32xf32, #tpu.memory_space<vmem_shared>>
        tpu.enqueue_indirect_dma source(%dma_start3A_348 : memref<10016x32xf32, #tpu.memory_space<vmem_shared>>) target(%dma_start3A_342 : memref<80x32xf32, #tpu.memory_space<vmem>>) offsets(%dma_start3A_345 : memref<80xi32, #tpu.memory_space<vmem>>) semaphore(%arg12 : memref<!tpu.dma_semaphore, #tpu.memory_space<semaphore_mem>>)
      } else {
      }
      %dma_wait3A_227 = arith.constant 2 : i32
      %dma_wait3A_228 = arith.constant 0 : i32
      %dma_wait3A_229 = arith.constant 0 : i32
      %dma_wait3A_230 = tpu.memref_slice %arg8[%dma_wait3A_227, %dma_wait3A_228, %dma_wait3A_229] : memref<5x80x32xf32, #tpu.memory_space<vmem>> -> memref<1x80x32xf32, #tpu.memory_space<vmem>>
      %dma_wait3A_231 = tpu.memref_squeeze %dma_wait3A_230 : memref<1x80x32xf32, #tpu.memory_space<vmem>> -> memref<80x32xf32, #tpu.memory_space<vmem>>
      %dma_wait3A_232 = arith.constant 0 : i32
      %dma_wait3A_233 = tpu.memref_slice %arg6[%add3A_214, %dma_wait3A_232] : memref<125x80xi32, #tpu.memory_space<vmem>> -> memref<1x80xi32, #tpu.memory_space<vmem>>
      %dma_wait3A_234 = tpu.memref_squeeze %dma_wait3A_233 : memref<1x80xi32, #tpu.memory_space<vmem>> -> memref<80xi32, #tpu.memory_space<vmem>>
      %dma_wait3A_235 = arith.constant 0 : i32
      %dma_wait3A_236 = arith.constant 0 : i32
      %dma_wait3A_237 = tpu.memref_slice %arg10[%dma_wait3A_235, %dma_wait3A_236] : memref<10016x32xf32, #tpu.memory_space<vmem_shared>> -> memref<10016x32xf32, #tpu.memory_space<vmem_shared>>
      tpu.wait_indirect_dma semaphore(%arg13 : memref<!tpu.dma_semaphore, #tpu.memory_space<semaphore_mem>>) src(%dma_wait3A_237 : memref<10016x32xf32, #tpu.memory_space<vmem_shared>>) dst(%dma_wait3A_231 : memref<80x32xf32, #tpu.memory_space<vmem>>)
      %dma_start3A_238 = arith.constant 2 : i32
      %dma_start3A_239 = arith.constant 0 : i32
      %dma_start3A_240 = arith.constant 0 : i32
      %dma_start3A_241 = tpu.memref_slice %arg8[%dma_start3A_238, %dma_start3A_239, %dma_start3A_240] : memref<5x80x32xf32, #tpu.memory_space<vmem>> -> memref<1x80x32xf32, #tpu.memory_space<vmem>>
      %dma_start3A_242 = tpu.memref_squeeze %dma_start3A_241 : memref<1x80x32xf32, #tpu.memory_space<vmem>> -> memref<80x32xf32, #tpu.memory_space<vmem>>
      %dma_start3A_243 = arith.constant 0 : i32
      %dma_start3A_244 = tpu.memref_slice %arg7[%add3A_214, %dma_start3A_243] : memref<125x80xi32, #tpu.memory_space<vmem>> -> memref<1x80xi32, #tpu.memory_space<vmem>>
      %dma_start3A_245 = tpu.memref_squeeze %dma_start3A_244 : memref<1x80xi32, #tpu.memory_space<vmem>> -> memref<80xi32, #tpu.memory_space<vmem>>
      %dma_start3A_246 = arith.constant 0 : i32
      %dma_start3A_247 = arith.constant 0 : i32
      %dma_start3A_248 = tpu.memref_slice %arg9[%dma_start3A_246, %dma_start3A_247] : memref<10016x32xf32, #tpu.memory_space<vmem_shared>> -> memref<10016x32xf32, #tpu.memory_space<vmem_shared>>
      tpu.enqueue_indirect_dma source(%dma_start3A_242 : memref<80x32xf32, #tpu.memory_space<vmem>>) target(%dma_start3A_248 : memref<10016x32xf32, #tpu.memory_space<vmem_shared>>) offsets(%dma_start3A_245 : memref<80xi32, #tpu.memory_space<vmem>>) semaphore(%arg18 : memref<!tpu.dma_semaphore, #tpu.memory_space<semaphore_mem>>) {add = true}
      %mul3A_249 = arith.constant 5 : i32
      %mul3A_250 = arith.muli %scan3A_138, %mul3A_249 : i32
      %add3A_251 = arith.constant 3 : i32
      %add3A_252 = arith.addi %mul3A_250, %add3A_251 : i32
      %sub3A_253 = arith.constant 1 : i32
      %sub3A_254 = arith.subi %add3A_252, %sub3A_253 : i32
      %ge3A_255 = arith.constant 0 : i32
      %ge3A_256 = arith.cmpi sge, %sub3A_254, %ge3A_255 : i32
      %add3A_257 = arith.constant 5 : i32
      %add3A_258 = arith.addi %sub3A_254, %add3A_257 : i32
      %lt3A_259 = arith.constant 125 : i32
      %lt3A_260 = arith.cmpi slt, %add3A_258, %lt3A_259 : i32
      %and3A_261 = arith.andi %ge3A_256, %lt3A_260 : i1
      %convert_element_type3A_262 = arith.extui %and3A_261 : i1 to i32
      %cond3A_263 = arith.constant 0 : i32
      %cond3A_264 = arith.cmpi ne, %convert_element_type3A_262, %cond3A_263 : i32
      scf.if %cond3A_264 {
        %dma_wait3A_325 = arith.constant 2 : i32
        %dma_wait3A_326 = arith.constant 0 : i32
        %dma_wait3A_327 = arith.constant 0 : i32
        %dma_wait3A_328 = tpu.memref_slice %arg8[%dma_wait3A_325, %dma_wait3A_326, %dma_wait3A_327] : memref<5x80x32xf32, #tpu.memory_space<vmem>> -> memref<1x80x32xf32, #tpu.memory_space<vmem>>
        %dma_wait3A_329 = tpu.memref_squeeze %dma_wait3A_328 : memref<1x80x32xf32, #tpu.memory_space<vmem>> -> memref<80x32xf32, #tpu.memory_space<vmem>>
        %dma_wait3A_330 = arith.constant 0 : i32
        %dma_wait3A_331 = tpu.memref_slice %arg7[%sub3A_254, %dma_wait3A_330] : memref<125x80xi32, #tpu.memory_space<vmem>> -> memref<1x80xi32, #tpu.memory_space<vmem>>
        %dma_wait3A_332 = tpu.memref_squeeze %dma_wait3A_331 : memref<1x80xi32, #tpu.memory_space<vmem>> -> memref<80xi32, #tpu.memory_space<vmem>>
        %dma_wait3A_333 = arith.constant 0 : i32
        %dma_wait3A_334 = arith.constant 0 : i32
        %dma_wait3A_335 = tpu.memref_slice %arg9[%dma_wait3A_333, %dma_wait3A_334] : memref<10016x32xf32, #tpu.memory_space<vmem_shared>> -> memref<10016x32xf32, #tpu.memory_space<vmem_shared>>
        tpu.wait_indirect_dma semaphore(%arg18 : memref<!tpu.dma_semaphore, #tpu.memory_space<semaphore_mem>>) src(%dma_wait3A_329 : memref<80x32xf32, #tpu.memory_space<vmem>>) dst(%dma_wait3A_335 : memref<10016x32xf32, #tpu.memory_space<vmem_shared>>)
        %add3A_336 = arith.constant 5 : i32
        %add3A_337 = arith.addi %sub3A_254, %add3A_336 : i32
        %dma_start3A_338 = arith.constant 2 : i32
        %dma_start3A_339 = arith.constant 0 : i32
        %dma_start3A_340 = arith.constant 0 : i32
        %dma_start3A_341 = tpu.memref_slice %arg8[%dma_start3A_338, %dma_start3A_339, %dma_start3A_340] : memref<5x80x32xf32, #tpu.memory_space<vmem>> -> memref<1x80x32xf32, #tpu.memory_space<vmem>>
        %dma_start3A_342 = tpu.memref_squeeze %dma_start3A_341 : memref<1x80x32xf32, #tpu.memory_space<vmem>> -> memref<80x32xf32, #tpu.memory_space<vmem>>
        %dma_start3A_343 = arith.constant 0 : i32
        %dma_start3A_344 = tpu.memref_slice %arg6[%add3A_337, %dma_start3A_343] : memref<125x80xi32, #tpu.memory_space<vmem>> -> memref<1x80xi32, #tpu.memory_space<vmem>>
        %dma_start3A_345 = tpu.memref_squeeze %dma_start3A_344 : memref<1x80xi32, #tpu.memory_space<vmem>> -> memref<80xi32, #tpu.memory_space<vmem>>
        %dma_start3A_346 = arith.constant 0 : i32
        %dma_start3A_347 = arith.constant 0 : i32
        %dma_start3A_348 = tpu.memref_slice %arg10[%dma_start3A_346, %dma_start3A_347] : memref<10016x32xf32, #tpu.memory_space<vmem_shared>> -> memref<10016x32xf32, #tpu.memory_space<vmem_shared>>
        tpu.enqueue_indirect_dma source(%dma_start3A_348 : memref<10016x32xf32, #tpu.memory_space<vmem_shared>>) target(%dma_start3A_342 : memref<80x32xf32, #tpu.memory_space<vmem>>) offsets(%dma_start3A_345 : memref<80xi32, #tpu.memory_space<vmem>>) semaphore(%arg13 : memref<!tpu.dma_semaphore, #tpu.memory_space<semaphore_mem>>)
      } else {
      }
      %dma_wait3A_265 = arith.constant 3 : i32
      %dma_wait3A_266 = arith.constant 0 : i32
      %dma_wait3A_267 = arith.constant 0 : i32
      %dma_wait3A_268 = tpu.memref_slice %arg8[%dma_wait3A_265, %dma_wait3A_266, %dma_wait3A_267] : memref<5x80x32xf32, #tpu.memory_space<vmem>> -> memref<1x80x32xf32, #tpu.memory_space<vmem>>
      %dma_wait3A_269 = tpu.memref_squeeze %dma_wait3A_268 : memref<1x80x32xf32, #tpu.memory_space<vmem>> -> memref<80x32xf32, #tpu.memory_space<vmem>>
      %dma_wait3A_270 = arith.constant 0 : i32
      %dma_wait3A_271 = tpu.memref_slice %arg6[%add3A_252, %dma_wait3A_270] : memref<125x80xi32, #tpu.memory_space<vmem>> -> memref<1x80xi32, #tpu.memory_space<vmem>>
      %dma_wait3A_272 = tpu.memref_squeeze %dma_wait3A_271 : memref<1x80xi32, #tpu.memory_space<vmem>> -> memref<80xi32, #tpu.memory_space<vmem>>
      %dma_wait3A_273 = arith.constant 0 : i32
      %dma_wait3A_274 = arith.constant 0 : i32
      %dma_wait3A_275 = tpu.memref_slice %arg10[%dma_wait3A_273, %dma_wait3A_274] : memref<10016x32xf32, #tpu.memory_space<vmem_shared>> -> memref<10016x32xf32, #tpu.memory_space<vmem_shared>>
      tpu.wait_indirect_dma semaphore(%arg14 : memref<!tpu.dma_semaphore, #tpu.memory_space<semaphore_mem>>) src(%dma_wait3A_275 : memref<10016x32xf32, #tpu.memory_space<vmem_shared>>) dst(%dma_wait3A_269 : memref<80x32xf32, #tpu.memory_space<vmem>>)
      %dma_start3A_276 = arith.constant 3 : i32
      %dma_start3A_277 = arith.constant 0 : i32
      %dma_start3A_278 = arith.constant 0 : i32
      %dma_start3A_279 = tpu.memref_slice %arg8[%dma_start3A_276, %dma_start3A_277, %dma_start3A_278] : memref<5x80x32xf32, #tpu.memory_space<vmem>> -> memref<1x80x32xf32, #tpu.memory_space<vmem>>
      %dma_start3A_280 = tpu.memref_squeeze %dma_start3A_279 : memref<1x80x32xf32, #tpu.memory_space<vmem>> -> memref<80x32xf32, #tpu.memory_space<vmem>>
      %dma_start3A_281 = arith.constant 0 : i32
      %dma_start3A_282 = tpu.memref_slice %arg7[%add3A_252, %dma_start3A_281] : memref<125x80xi32, #tpu.memory_space<vmem>> -> memref<1x80xi32, #tpu.memory_space<vmem>>
      %dma_start3A_283 = tpu.memref_squeeze %dma_start3A_282 : memref<1x80xi32, #tpu.memory_space<vmem>> -> memref<80xi32, #tpu.memory_space<vmem>>
      %dma_start3A_284 = arith.constant 0 : i32
      %dma_start3A_285 = arith.constant 0 : i32
      %dma_start3A_286 = tpu.memref_slice %arg9[%dma_start3A_284, %dma_start3A_285] : memref<10016x32xf32, #tpu.memory_space<vmem_shared>> -> memref<10016x32xf32, #tpu.memory_space<vmem_shared>>
      tpu.enqueue_indirect_dma source(%dma_start3A_280 : memref<80x32xf32, #tpu.memory_space<vmem>>) target(%dma_start3A_286 : memref<10016x32xf32, #tpu.memory_space<vmem_shared>>) offsets(%dma_start3A_283 : memref<80xi32, #tpu.memory_space<vmem>>) semaphore(%arg19 : memref<!tpu.dma_semaphore, #tpu.memory_space<semaphore_mem>>) {add = true}
      %mul3A_287 = arith.constant 5 : i32
      %mul3A_288 = arith.muli %scan3A_138, %mul3A_287 : i32
      %add3A_289 = arith.constant 4 : i32
      %add3A_290 = arith.addi %mul3A_288, %add3A_289 : i32
      %sub3A_291 = arith.constant 1 : i32
      %sub3A_292 = arith.subi %add3A_290, %sub3A_291 : i32
      %ge3A_293 = arith.constant 0 : i32
      %ge3A_294 = arith.cmpi sge, %sub3A_292, %ge3A_293 : i32
      %add3A_295 = arith.constant 5 : i32
      %add3A_296 = arith.addi %sub3A_292, %add3A_295 : i32
      %lt3A_297 = arith.constant 125 : i32
      %lt3A_298 = arith.cmpi slt, %add3A_296, %lt3A_297 : i32
      %and3A_299 = arith.andi %ge3A_294, %lt3A_298 : i1
      %convert_element_type3A_300 = arith.extui %and3A_299 : i1 to i32
      %cond3A_301 = arith.constant 0 : i32
      %cond3A_302 = arith.cmpi ne, %convert_element_type3A_300, %cond3A_301 : i32
      scf.if %cond3A_302 {
        %dma_wait3A_325 = arith.constant 3 : i32
        %dma_wait3A_326 = arith.constant 0 : i32
        %dma_wait3A_327 = arith.constant 0 : i32
        %dma_wait3A_328 = tpu.memref_slice %arg8[%dma_wait3A_325, %dma_wait3A_326, %dma_wait3A_327] : memref<5x80x32xf32, #tpu.memory_space<vmem>> -> memref<1x80x32xf32, #tpu.memory_space<vmem>>
        %dma_wait3A_329 = tpu.memref_squeeze %dma_wait3A_328 : memref<1x80x32xf32, #tpu.memory_space<vmem>> -> memref<80x32xf32, #tpu.memory_space<vmem>>
        %dma_wait3A_330 = arith.constant 0 : i32
        %dma_wait3A_331 = tpu.memref_slice %arg7[%sub3A_292, %dma_wait3A_330] : memref<125x80xi32, #tpu.memory_space<vmem>> -> memref<1x80xi32, #tpu.memory_space<vmem>>
        %dma_wait3A_332 = tpu.memref_squeeze %dma_wait3A_331 : memref<1x80xi32, #tpu.memory_space<vmem>> -> memref<80xi32, #tpu.memory_space<vmem>>
        %dma_wait3A_333 = arith.constant 0 : i32
        %dma_wait3A_334 = arith.constant 0 : i32
        %dma_wait3A_335 = tpu.memref_slice %arg9[%dma_wait3A_333, %dma_wait3A_334] : memref<10016x32xf32, #tpu.memory_space<vmem_shared>> -> memref<10016x32xf32, #tpu.memory_space<vmem_shared>>
        tpu.wait_indirect_dma semaphore(%arg19 : memref<!tpu.dma_semaphore, #tpu.memory_space<semaphore_mem>>) src(%dma_wait3A_329 : memref<80x32xf32, #tpu.memory_space<vmem>>) dst(%dma_wait3A_335 : memref<10016x32xf32, #tpu.memory_space<vmem_shared>>)
        %add3A_336 = arith.constant 5 : i32
        %add3A_337 = arith.addi %sub3A_292, %add3A_336 : i32
        %dma_start3A_338 = arith.constant 3 : i32
        %dma_start3A_339 = arith.constant 0 : i32
        %dma_start3A_340 = arith.constant 0 : i32
        %dma_start3A_341 = tpu.memref_slice %arg8[%dma_start3A_338, %dma_start3A_339, %dma_start3A_340] : memref<5x80x32xf32, #tpu.memory_space<vmem>> -> memref<1x80x32xf32, #tpu.memory_space<vmem>>
        %dma_start3A_342 = tpu.memref_squeeze %dma_start3A_341 : memref<1x80x32xf32, #tpu.memory_space<vmem>> -> memref<80x32xf32, #tpu.memory_space<vmem>>
        %dma_start3A_343 = arith.constant 0 : i32
        %dma_start3A_344 = tpu.memref_slice %arg6[%add3A_337, %dma_start3A_343] : memref<125x80xi32, #tpu.memory_space<vmem>> -> memref<1x80xi32, #tpu.memory_space<vmem>>
        %dma_start3A_345 = tpu.memref_squeeze %dma_start3A_344 : memref<1x80xi32, #tpu.memory_space<vmem>> -> memref<80xi32, #tpu.memory_space<vmem>>
        %dma_start3A_346 = arith.constant 0 : i32
        %dma_start3A_347 = arith.constant 0 : i32
        %dma_start3A_348 = tpu.memref_slice %arg10[%dma_start3A_346, %dma_start3A_347] : memref<10016x32xf32, #tpu.memory_space<vmem_shared>> -> memref<10016x32xf32, #tpu.memory_space<vmem_shared>>
        tpu.enqueue_indirect_dma source(%dma_start3A_348 : memref<10016x32xf32, #tpu.memory_space<vmem_shared>>) target(%dma_start3A_342 : memref<80x32xf32, #tpu.memory_space<vmem>>) offsets(%dma_start3A_345 : memref<80xi32, #tpu.memory_space<vmem>>) semaphore(%arg14 : memref<!tpu.dma_semaphore, #tpu.memory_space<semaphore_mem>>)
      } else {
      }
      %dma_wait3A_303 = arith.constant 4 : i32
      %dma_wait3A_304 = arith.constant 0 : i32
      %dma_wait3A_305 = arith.constant 0 : i32
      %dma_wait3A_306 = tpu.memref_slice %arg8[%dma_wait3A_303, %dma_wait3A_304, %dma_wait3A_305] : memref<5x80x32xf32, #tpu.memory_space<vmem>> -> memref<1x80x32xf32, #tpu.memory_space<vmem>>
      %dma_wait3A_307 = tpu.memref_squeeze %dma_wait3A_306 : memref<1x80x32xf32, #tpu.memory_space<vmem>> -> memref<80x32xf32, #tpu.memory_space<vmem>>
      %dma_wait3A_308 = arith.constant 0 : i32
      %dma_wait3A_309 = tpu.memref_slice %arg6[%add3A_290, %dma_wait3A_308] : memref<125x80xi32, #tpu.memory_space<vmem>> -> memref<1x80xi32, #tpu.memory_space<vmem>>
      %dma_wait3A_310 = tpu.memref_squeeze %dma_wait3A_309 : memref<1x80xi32, #tpu.memory_space<vmem>> -> memref<80xi32, #tpu.memory_space<vmem>>
      %dma_wait3A_311 = arith.constant 0 : i32
      %dma_wait3A_312 = arith.constant 0 : i32
      %dma_wait3A_313 = tpu.memref_slice %arg10[%dma_wait3A_311, %dma_wait3A_312] : memref<10016x32xf32, #tpu.memory_space<vmem_shared>> -> memref<10016x32xf32, #tpu.memory_space<vmem_shared>>
      tpu.wait_indirect_dma semaphore(%arg15 : memref<!tpu.dma_semaphore, #tpu.memory_space<semaphore_mem>>) src(%dma_wait3A_313 : memref<10016x32xf32, #tpu.memory_space<vmem_shared>>) dst(%dma_wait3A_307 : memref<80x32xf32, #tpu.memory_space<vmem>>)
      %dma_start3A_314 = arith.constant 4 : i32
      %dma_start3A_315 = arith.constant 0 : i32
      %dma_start3A_316 = arith.constant 0 : i32
      %dma_start3A_317 = tpu.memref_slice %arg8[%dma_start3A_314, %dma_start3A_315, %dma_start3A_316] : memref<5x80x32xf32, #tpu.memory_space<vmem>> -> memref<1x80x32xf32, #tpu.memory_space<vmem>>
      %dma_start3A_318 = tpu.memref_squeeze %dma_start3A_317 : memref<1x80x32xf32, #tpu.memory_space<vmem>> -> memref<80x32xf32, #tpu.memory_space<vmem>>
      %dma_start3A_319 = arith.constant 0 : i32
      %dma_start3A_320 = tpu.memref_slice %arg7[%add3A_290, %dma_start3A_319] : memref<125x80xi32, #tpu.memory_space<vmem>> -> memref<1x80xi32, #tpu.memory_space<vmem>>
      %dma_start3A_321 = tpu.memref_squeeze %dma_start3A_320 : memref<1x80xi32, #tpu.memory_space<vmem>> -> memref<80xi32, #tpu.memory_space<vmem>>
      %dma_start3A_322 = arith.constant 0 : i32
      %dma_start3A_323 = arith.constant 0 : i32
      %dma_start3A_324 = tpu.memref_slice %arg9[%dma_start3A_322, %dma_start3A_323] : memref<10016x32xf32, #tpu.memory_space<vmem_shared>> -> memref<10016x32xf32, #tpu.memory_space<vmem_shared>>
      tpu.enqueue_indirect_dma source(%dma_start3A_318 : memref<80x32xf32, #tpu.memory_space<vmem>>) target(%dma_start3A_324 : memref<10016x32xf32, #tpu.memory_space<vmem_shared>>) offsets(%dma_start3A_321 : memref<80xi32, #tpu.memory_space<vmem>>) semaphore(%arg20 : memref<!tpu.dma_semaphore, #tpu.memory_space<semaphore_mem>>) {add = true}
    }
    %scan3A_72 = arith.constant 25 : i32
    %dma_wait3A = arith.constant 0 : i32
    %dma_wait3A_73 = arith.constant 120 : i32
    %dma_wait3A_74 = arith.constant 0 : i32
    %dma_wait3A_75 = arith.constant 0 : i32
    %dma_wait3A_76 = tpu.memref_slice %arg8[%dma_wait3A, %dma_wait3A_74, %dma_wait3A_75] : memref<5x80x32xf32, #tpu.memory_space<vmem>> -> memref<1x80x32xf32, #tpu.memory_space<vmem>>
    %dma_wait3A_77 = tpu.memref_squeeze %dma_wait3A_76 : memref<1x80x32xf32, #tpu.memory_space<vmem>> -> memref<80x32xf32, #tpu.memory_space<vmem>>
    %dma_wait3A_78 = arith.constant 0 : i32
    %dma_wait3A_79 = tpu.memref_slice %arg7[%dma_wait3A_73, %dma_wait3A_78] : memref<125x80xi32, #tpu.memory_space<vmem>> -> memref<1x80xi32, #tpu.memory_space<vmem>>
    %dma_wait3A_80 = tpu.memref_squeeze %dma_wait3A_79 : memref<1x80xi32, #tpu.memory_space<vmem>> -> memref<80xi32, #tpu.memory_space<vmem>>
    %dma_wait3A_81 = arith.constant 0 : i32
    %dma_wait3A_82 = arith.constant 0 : i32
    %dma_wait3A_83 = tpu.memref_slice %arg9[%dma_wait3A_81, %dma_wait3A_82] : memref<10016x32xf32, #tpu.memory_space<vmem_shared>> -> memref<10016x32xf32, #tpu.memory_space<vmem_shared>>
    tpu.wait_indirect_dma semaphore(%arg16 : memref<!tpu.dma_semaphore, #tpu.memory_space<semaphore_mem>>) src(%dma_wait3A_77 : memref<80x32xf32, #tpu.memory_space<vmem>>) dst(%dma_wait3A_83 : memref<10016x32xf32, #tpu.memory_space<vmem_shared>>)
    %dma_wait3A_84 = arith.constant 1 : i32
    %dma_wait3A_85 = arith.constant 121 : i32
    %dma_wait3A_86 = arith.constant 0 : i32
    %dma_wait3A_87 = arith.constant 0 : i32
    %dma_wait3A_88 = tpu.memref_slice %arg8[%dma_wait3A_84, %dma_wait3A_86, %dma_wait3A_87] : memref<5x80x32xf32, #tpu.memory_space<vmem>> -> memref<1x80x32xf32, #tpu.memory_space<vmem>>
    %dma_wait3A_89 = tpu.memref_squeeze %dma_wait3A_88 : memref<1x80x32xf32, #tpu.memory_space<vmem>> -> memref<80x32xf32, #tpu.memory_space<vmem>>
    %dma_wait3A_90 = arith.constant 0 : i32
    %dma_wait3A_91 = tpu.memref_slice %arg7[%dma_wait3A_85, %dma_wait3A_90] : memref<125x80xi32, #tpu.memory_space<vmem>> -> memref<1x80xi32, #tpu.memory_space<vmem>>
    %dma_wait3A_92 = tpu.memref_squeeze %dma_wait3A_91 : memref<1x80xi32, #tpu.memory_space<vmem>> -> memref<80xi32, #tpu.memory_space<vmem>>
    %dma_wait3A_93 = arith.constant 0 : i32
    %dma_wait3A_94 = arith.constant 0 : i32
    %dma_wait3A_95 = tpu.memref_slice %arg9[%dma_wait3A_93, %dma_wait3A_94] : memref<10016x32xf32, #tpu.memory_space<vmem_shared>> -> memref<10016x32xf32, #tpu.memory_space<vmem_shared>>
    tpu.wait_indirect_dma semaphore(%arg17 : memref<!tpu.dma_semaphore, #tpu.memory_space<semaphore_mem>>) src(%dma_wait3A_89 : memref<80x32xf32, #tpu.memory_space<vmem>>) dst(%dma_wait3A_95 : memref<10016x32xf32, #tpu.memory_space<vmem_shared>>)
    %dma_wait3A_96 = arith.constant 2 : i32
    %dma_wait3A_97 = arith.constant 122 : i32
    %dma_wait3A_98 = arith.constant 0 : i32
    %dma_wait3A_99 = arith.constant 0 : i32
    %dma_wait3A_100 = tpu.memref_slice %arg8[%dma_wait3A_96, %dma_wait3A_98, %dma_wait3A_99] : memref<5x80x32xf32, #tpu.memory_space<vmem>> -> memref<1x80x32xf32, #tpu.memory_space<vmem>>
    %dma_wait3A_101 = tpu.memref_squeeze %dma_wait3A_100 : memref<1x80x32xf32, #tpu.memory_space<vmem>> -> memref<80x32xf32, #tpu.memory_space<vmem>>
    %dma_wait3A_102 = arith.constant 0 : i32
    %dma_wait3A_103 = tpu.memref_slice %arg7[%dma_wait3A_97, %dma_wait3A_102] : memref<125x80xi32, #tpu.memory_space<vmem>> -> memref<1x80xi32, #tpu.memory_space<vmem>>
    %dma_wait3A_104 = tpu.memref_squeeze %dma_wait3A_103 : memref<1x80xi32, #tpu.memory_space<vmem>> -> memref<80xi32, #tpu.memory_space<vmem>>
    %dma_wait3A_105 = arith.constant 0 : i32
    %dma_wait3A_106 = arith.constant 0 : i32
    %dma_wait3A_107 = tpu.memref_slice %arg9[%dma_wait3A_105, %dma_wait3A_106] : memref<10016x32xf32, #tpu.memory_space<vmem_shared>> -> memref<10016x32xf32, #tpu.memory_space<vmem_shared>>
    tpu.wait_indirect_dma semaphore(%arg18 : memref<!tpu.dma_semaphore, #tpu.memory_space<semaphore_mem>>) src(%dma_wait3A_101 : memref<80x32xf32, #tpu.memory_space<vmem>>) dst(%dma_wait3A_107 : memref<10016x32xf32, #tpu.memory_space<vmem_shared>>)
    %dma_wait3A_108 = arith.constant 3 : i32
    %dma_wait3A_109 = arith.constant 123 : i32
    %dma_wait3A_110 = arith.constant 0 : i32
    %dma_wait3A_111 = arith.constant 0 : i32
    %dma_wait3A_112 = tpu.memref_slice %arg8[%dma_wait3A_108, %dma_wait3A_110, %dma_wait3A_111] : memref<5x80x32xf32, #tpu.memory_space<vmem>> -> memref<1x80x32xf32, #tpu.memory_space<vmem>>
    %dma_wait3A_113 = tpu.memref_squeeze %dma_wait3A_112 : memref<1x80x32xf32, #tpu.memory_space<vmem>> -> memref<80x32xf32, #tpu.memory_space<vmem>>
    %dma_wait3A_114 = arith.constant 0 : i32
    %dma_wait3A_115 = tpu.memref_slice %arg7[%dma_wait3A_109, %dma_wait3A_114] : memref<125x80xi32, #tpu.memory_space<vmem>> -> memref<1x80xi32, #tpu.memory_space<vmem>>
    %dma_wait3A_116 = tpu.memref_squeeze %dma_wait3A_115 : memref<1x80xi32, #tpu.memory_space<vmem>> -> memref<80xi32, #tpu.memory_space<vmem>>
    %dma_wait3A_117 = arith.constant 0 : i32
    %dma_wait3A_118 = arith.constant 0 : i32
    %dma_wait3A_119 = tpu.memref_slice %arg9[%dma_wait3A_117, %dma_wait3A_118] : memref<10016x32xf32, #tpu.memory_space<vmem_shared>> -> memref<10016x32xf32, #tpu.memory_space<vmem_shared>>
    tpu.wait_indirect_dma semaphore(%arg19 : memref<!tpu.dma_semaphore, #tpu.memory_space<semaphore_mem>>) src(%dma_wait3A_113 : memref<80x32xf32, #tpu.memory_space<vmem>>) dst(%dma_wait3A_119 : memref<10016x32xf32, #tpu.memory_space<vmem_shared>>)
    %dma_wait3A_120 = arith.constant 4 : i32
    %dma_wait3A_121 = arith.constant 124 : i32
    %dma_wait3A_122 = arith.constant 0 : i32
    %dma_wait3A_123 = arith.constant 0 : i32
    %dma_wait3A_124 = tpu.memref_slice %arg8[%dma_wait3A_120, %dma_wait3A_122, %dma_wait3A_123] : memref<5x80x32xf32, #tpu.memory_space<vmem>> -> memref<1x80x32xf32, #tpu.memory_space<vmem>>
    %dma_wait3A_125 = tpu.memref_squeeze %dma_wait3A_124 : memref<1x80x32xf32, #tpu.memory_space<vmem>> -> memref<80x32xf32, #tpu.memory_space<vmem>>
    %dma_wait3A_126 = arith.constant 0 : i32
    %dma_wait3A_127 = tpu.memref_slice %arg7[%dma_wait3A_121, %dma_wait3A_126] : memref<125x80xi32, #tpu.memory_space<vmem>> -> memref<1x80xi32, #tpu.memory_space<vmem>>
    %dma_wait3A_128 = tpu.memref_squeeze %dma_wait3A_127 : memref<1x80xi32, #tpu.memory_space<vmem>> -> memref<80xi32, #tpu.memory_space<vmem>>
    %dma_wait3A_129 = arith.constant 0 : i32
    %dma_wait3A_130 = arith.constant 0 : i32
    %dma_wait3A_131 = tpu.memref_slice %arg9[%dma_wait3A_129, %dma_wait3A_130] : memref<10016x32xf32, #tpu.memory_space<vmem_shared>> -> memref<10016x32xf32, #tpu.memory_space<vmem_shared>>
    tpu.wait_indirect_dma semaphore(%arg20 : memref<!tpu.dma_semaphore, #tpu.memory_space<semaphore_mem>>) src(%dma_wait3A_125 : memref<80x32xf32, #tpu.memory_space<vmem>>) dst(%dma_wait3A_131 : memref<10016x32xf32, #tpu.memory_space<vmem_shared>>)
    %barrier3A_132 = arith.constant 0 : index
    tpu.barrier barrier_id(%barrier3A_132)
    %eq3A_133 = arith.constant 0 : i32
    %eq3A_134 = arith.cmpi eq, %arg1, %eq3A_133 : i32
    %convert_element_type3A_135 = arith.extui %eq3A_134 : i1 to i32
    %cond3A_136 = arith.constant 0 : i32
    %cond3A_137 = arith.cmpi ne, %convert_element_type3A_135, %cond3A_136 : i32
    scf.if %cond3A_137 {
      "tpu.region"() ({
        %run_scoped3A_138 = tpu.sem_alloc : memref<!tpu.dma_semaphore, #tpu.memory_space<semaphore_mem>>
        %dma_start3A_139 = arith.constant 0 : i32
        %dma_start3A_140 = arith.constant 0 : i32
        %dma_start3A_141 = tpu.memref_slice %arg5[%arg0, %dma_start3A_139, %dma_start3A_140] : memref<2x10016x32xf32, #tpu.memory_space<hbm>> -> memref<1x10016x32xf32, #tpu.memory_space<hbm>>
        %dma_start3A_142 = tpu.memref_squeeze %dma_start3A_141 : memref<1x10016x32xf32, #tpu.memory_space<hbm>> -> memref<10016x32xf32, #tpu.memory_space<hbm>>
        tpu.enqueue_dma source(%arg9 : memref<10016x32xf32, #tpu.memory_space<vmem_shared>>) target(%dma_start3A_142 : memref<10016x32xf32, #tpu.memory_space<hbm>>) target_semaphore(%run_scoped3A_138 : memref<!tpu.dma_semaphore, #tpu.memory_space<semaphore_mem>>)
        %dma_wait3A_143 = arith.constant 0 : i32
        %dma_wait3A_144 = arith.constant 0 : i32
        %dma_wait3A_145 = tpu.memref_slice %arg5[%arg0, %dma_wait3A_143, %dma_wait3A_144] : memref<2x10016x32xf32, #tpu.memory_space<hbm>> -> memref<1x10016x32xf32, #tpu.memory_space<hbm>>
        %dma_wait3A_146 = tpu.memref_squeeze %dma_wait3A_145 : memref<1x10016x32xf32, #tpu.memory_space<hbm>> -> memref<10016x32xf32, #tpu.memory_space<hbm>>
        tpu.wait_dma2 semaphore(%run_scoped3A_138 : memref<!tpu.dma_semaphore, #tpu.memory_space<semaphore_mem>>) src(%arg9 : memref<10016x32xf32, #tpu.memory_space<vmem_shared>>) dst(%dma_wait3A_146 : memref<10016x32xf32, #tpu.memory_space<hbm>>)
        tpu.yield
      }) : () -> ()
    } else {
    }
    return
  }
}

module attributes {stable_mosaic.version = 14 : i64} {
  func.func @_proj_body(%arg0: memref<10000x128xf32, #tpu.memory_space<vmem>>, %arg1: memref<128x32xf32, #tpu.memory_space<vmem>>, %arg2: memref<2504x128xf32, #tpu.memory_space<vmem>>) attributes {dimension_semantics = [], scalar_prefetch = 0 : i64, scratch_operands = 0 : i64, tpu.core_type = #tpu.core_type<tc>} {
    %get3A = arith.constant 0 : index
    %get3A_0 = arith.constant 0 : index
    %get3A_1 = vector.load %arg0[%get3A, %get3A_0] : memref<10000x128xf32, #tpu.memory_space<vmem>>, vector<2504x128xf32>
    %get3A_2 = arith.constant 0 : index
    %get3A_3 = arith.constant 0 : index
    %get3A_4 = vector.load %arg1[%get3A_2, %get3A_3] : memref<128x32xf32, #tpu.memory_space<vmem>>, vector<128x32xf32>
    %dot_general3A = arith.constant dense<0.000000e+00> : vector<2504x32xf32>
    %dot_general3A_5 = tpu.matmul %get3A_1, %get3A_4, %dot_general3A {dimension_numbers = #tpu.dot_dimension_numbers<[1], [0], [0], [1], [0, 0, 1, 1], [], []>, transpose_lhs_hint = false} : vector<2504x128xf32>, vector<128x32xf32>, vector<2504x32xf32> -> vector<2504x32xf32>
    %swap3A = arith.constant 0 : index
    %swap3A_6 = arith.constant 0 : index
    %swap3A_7 = vector.load %arg2[%swap3A, %swap3A_6] : memref<2504x128xf32, #tpu.memory_space<vmem>>, vector<2504x32xf32>
    tpu.vector_store %arg2[%swap3A, %swap3A_6], %dot_general3A_5 {strides = array<i32>} : memref<2504x128xf32, #tpu.memory_space<vmem>>, vector<2504x32xf32>,
    %get3A_8 = arith.constant 2504 : index
    %get3A_9 = arith.constant 0 : index
    %get3A_10 = vector.load %arg0[%get3A_8, %get3A_9] : memref<10000x128xf32, #tpu.memory_space<vmem>>, vector<2504x128xf32>
    %get3A_11 = arith.constant 0 : index
    %get3A_12 = arith.constant 0 : index
    %get3A_13 = vector.load %arg1[%get3A_11, %get3A_12] : memref<128x32xf32, #tpu.memory_space<vmem>>, vector<128x32xf32>
    %dot_general3A_14 = arith.constant dense<0.000000e+00> : vector<2504x32xf32>
    %dot_general3A_15 = tpu.matmul %get3A_10, %get3A_13, %dot_general3A_14 {dimension_numbers = #tpu.dot_dimension_numbers<[1], [0], [0], [1], [0, 0, 1, 1], [], []>, transpose_lhs_hint = false} : vector<2504x128xf32>, vector<128x32xf32>, vector<2504x32xf32> -> vector<2504x32xf32>
    %swap3A_16 = arith.constant 0 : index
    %swap3A_17 = arith.constant 32 : index
    %swap3A_18 = vector.load %arg2[%swap3A_16, %swap3A_17] : memref<2504x128xf32, #tpu.memory_space<vmem>>, vector<2504x32xf32>
    tpu.vector_store %arg2[%swap3A_16, %swap3A_17], %dot_general3A_15 {strides = array<i32>} : memref<2504x128xf32, #tpu.memory_space<vmem>>, vector<2504x32xf32>,
    %get3A_19 = arith.constant 5008 : index
    %get3A_20 = arith.constant 0 : index
    %get3A_21 = vector.load %arg0[%get3A_19, %get3A_20] : memref<10000x128xf32, #tpu.memory_space<vmem>>, vector<2504x128xf32>
    %get3A_22 = arith.constant 0 : index
    %get3A_23 = arith.constant 0 : index
    %get3A_24 = vector.load %arg1[%get3A_22, %get3A_23] : memref<128x32xf32, #tpu.memory_space<vmem>>, vector<128x32xf32>
    %dot_general3A_25 = arith.constant dense<0.000000e+00> : vector<2504x32xf32>
    %dot_general3A_26 = tpu.matmul %get3A_21, %get3A_24, %dot_general3A_25 {dimension_numbers = #tpu.dot_dimension_numbers<[1], [0], [0], [1], [0, 0, 1, 1], [], []>, transpose_lhs_hint = false} : vector<2504x128xf32>, vector<128x32xf32>, vector<2504x32xf32> -> vector<2504x32xf32>
    %swap3A_27 = arith.constant 0 : index
    %swap3A_28 = arith.constant 64 : index
    %swap3A_29 = vector.load %arg2[%swap3A_27, %swap3A_28] : memref<2504x128xf32, #tpu.memory_space<vmem>>, vector<2504x32xf32>
    tpu.vector_store %arg2[%swap3A_27, %swap3A_28], %dot_general3A_26 {strides = array<i32>} : memref<2504x128xf32, #tpu.memory_space<vmem>>, vector<2504x32xf32>,
    %get3A_30 = arith.constant 7512 : index
    %get3A_31 = arith.constant 0 : index
    %get3A_32 = vector.load %arg0[%get3A_30, %get3A_31] : memref<10000x128xf32, #tpu.memory_space<vmem>>, vector<2488x128xf32>
    %get3A_33 = arith.constant 0 : index
    %get3A_34 = arith.constant 0 : index
    %get3A_35 = vector.load %arg1[%get3A_33, %get3A_34] : memref<128x32xf32, #tpu.memory_space<vmem>>, vector<128x32xf32>
    %dot_general3A_36 = arith.constant dense<0.000000e+00> : vector<2488x32xf32>
    %dot_general3A_37 = tpu.matmul %get3A_32, %get3A_35, %dot_general3A_36 {dimension_numbers = #tpu.dot_dimension_numbers<[1], [0], [0], [1], [0, 0, 1, 1], [], []>, transpose_lhs_hint = false} : vector<2488x128xf32>, vector<128x32xf32>, vector<2488x32xf32> -> vector<2488x32xf32>
    %swap3A_38 = arith.constant 0 : index
    %swap3A_39 = arith.constant 96 : index
    %swap3A_40 = vector.load %arg2[%swap3A_38, %swap3A_39] : memref<2504x128xf32, #tpu.memory_space<vmem>>, vector<2488x32xf32>
    tpu.vector_store %arg2[%swap3A_38, %swap3A_39], %dot_general3A_37 {strides = array<i32>} : memref<2504x128xf32, #tpu.memory_space<vmem>>, vector<2488x32xf32>,
    %broadcast_in_dim3A = arith.constant 0.000000e+00 : f32
    %broadcast_in_dim3A_41 = vector.broadcast %broadcast_in_dim3A : f32 to vector<16x32xf32>
    %swap3A_42 = arith.constant 2488 : index
    %swap3A_43 = arith.constant 96 : index
    %swap3A_44 = vector.load %arg2[%swap3A_42, %swap3A_43] : memref<2504x128xf32, #tpu.memory_space<vmem>>, vector<16x32xf32>
    tpu.vector_store %arg2[%swap3A_42, %swap3A_43], %broadcast_in_dim3A_41 {strides = array<i32>} : memref<2504x128xf32, #tpu.memory_space<vmem>>, vector<16x32xf32>,
    return
  }
}

module attributes {stable_mosaic.version = 14 : i64} {
  func.func @_fuse1_body(%arg0: memref<2x2504x128xf32, #tpu.memory_space<vmem>>, %arg1: memref<2504x128xf32, #tpu.memory_space<vmem>>, %arg2: memref<1x128xf32, #tpu.memory_space<vmem>>, %arg3: memref<128x128xf32, #tpu.memory_space<vmem>>, %arg4: memref<1x128xf32, #tpu.memory_space<vmem>>, %arg5: memref<128x128xf32, #tpu.memory_space<vmem>>, %arg6: memref<2504x128xf32, #tpu.memory_space<vmem>>) attributes {dimension_semantics = [], scalar_prefetch = 0 : i64, scratch_operands = 0 : i64, tpu.core_type = #tpu.core_type<tc>} {
    %get3A = arith.constant 0 : index
    %get3A_0 = arith.constant 0 : index
    %get3A_1 = arith.constant 0 : index
    %get3A_2 = vector.load %arg0[%get3A, %get3A_0, %get3A_1] : memref<2x2504x128xf32, #tpu.memory_space<vmem>>, vector<1x2504x128xf32>
    %get3A_3 = vector.shape_cast %get3A_2 : vector<1x2504x128xf32> to vector<2504x128xf32>
    %get3A_4 = arith.constant 1 : index
    %get3A_5 = arith.constant 0 : index
    %get3A_6 = arith.constant 0 : index
    %get3A_7 = vector.load %arg0[%get3A_4, %get3A_5, %get3A_6] : memref<2x2504x128xf32, #tpu.memory_space<vmem>>, vector<1x2504x128xf32>
    %get3A_8 = vector.shape_cast %get3A_7 : vector<1x2504x128xf32> to vector<2504x128xf32>
    %add3A = arith.addf %get3A_3, %get3A_8 : vector<2504x128xf32>
    %get3A_9 = arith.constant 0 : index
    %get3A_10 = arith.constant 0 : index
    %get3A_11 = vector.load %arg1[%get3A_9, %get3A_10] : memref<2504x128xf32, #tpu.memory_space<vmem>>, vector<2504x128xf32>
    %add3A_12 = arith.addf %add3A, %get3A_11 : vector<2504x128xf32>
    %get3A_13 = arith.constant 0 : index
    %get3A_14 = arith.constant 0 : index
    %get3A_15 = vector.load %arg2[%get3A_13, %get3A_14] : memref<1x128xf32, #tpu.memory_space<vmem>>, vector<1x128xf32>
    %add3A_16 = vector.broadcast %get3A_15 : vector<1x128xf32> to vector<2504x128xf32>
    %add3A_17 = arith.addf %add3A_12, %add3A_16 : vector<2504x128xf32>
    %max3A = arith.constant 0.000000e+00 : f32
    %max3A_18 = vector.broadcast %max3A : f32 to vector<2504x128xf32>
    %max3A_19 = arith.maximumf %add3A_17, %max3A_18 : vector<2504x128xf32>
    %get3A_20 = arith.constant 0 : index
    %get3A_21 = arith.constant 0 : index
    %get3A_22 = vector.load %arg3[%get3A_20, %get3A_21] : memref<128x128xf32, #tpu.memory_space<vmem>>, vector<128x128xf32>
    %dot_general3A = arith.constant dense<0.000000e+00> : vector<2504x128xf32>
    %dot_general3A_23 = tpu.matmul %max3A_19, %get3A_22, %dot_general3A {dimension_numbers = #tpu.dot_dimension_numbers<[1], [0], [0], [1], [0, 0, 1, 1], [], []>, transpose_lhs_hint = false} : vector<2504x128xf32>, vector<128x128xf32>, vector<2504x128xf32> -> vector<2504x128xf32>
    %get3A_24 = arith.constant 0 : index
    %get3A_25 = arith.constant 0 : index
    %get3A_26 = vector.load %arg4[%get3A_24, %get3A_25] : memref<1x128xf32, #tpu.memory_space<vmem>>, vector<1x128xf32>
    %add3A_27 = vector.broadcast %get3A_26 : vector<1x128xf32> to vector<2504x128xf32>
    %add3A_28 = arith.addf %dot_general3A_23, %add3A_27 : vector<2504x128xf32>
    %max3A_29 = arith.constant 0.000000e+00 : f32
    %max3A_30 = vector.broadcast %max3A_29 : f32 to vector<2504x128xf32>
    %max3A_31 = arith.maximumf %add3A_28, %max3A_30 : vector<2504x128xf32>
    %get3A_32 = arith.constant 0 : index
    %get3A_33 = arith.constant 0 : index
    %get3A_34 = vector.load %arg5[%get3A_32, %get3A_33] : memref<128x128xf32, #tpu.memory_space<vmem>>, vector<128x128xf32>
    %dot_general3A_35 = arith.constant dense<0.000000e+00> : vector<2504x128xf32>
    %dot_general3A_36 = tpu.matmul %max3A_31, %get3A_34, %dot_general3A_35 {dimension_numbers = #tpu.dot_dimension_numbers<[1], [0], [0], [1], [0, 0, 1, 1], [], []>, transpose_lhs_hint = false} : vector<2504x128xf32>, vector<128x128xf32>, vector<2504x128xf32> -> vector<2504x128xf32>
    %swap3A = arith.constant 0 : index
    %swap3A_37 = arith.constant 0 : index
    %swap3A_38 = vector.load %arg6[%swap3A, %swap3A_37] : memref<2504x128xf32, #tpu.memory_space<vmem>>, vector<2504x128xf32>
    tpu.vector_store %arg6[%swap3A, %swap3A_37], %dot_general3A_36 {strides = array<i32>} : memref<2504x128xf32, #tpu.memory_space<vmem>>, vector<2504x128xf32>,
    return
  }
}

module attributes {stable_mosaic.version = 14 : i64} {
  func.func @_fuse2_body(%arg0: memref<2x2504x128xf32, #tpu.memory_space<vmem>>, %arg1: memref<2504x128xf32, #tpu.memory_space<vmem>>, %arg2: memref<1x128xf32, #tpu.memory_space<vmem>>, %arg3: memref<128x128xf32, #tpu.memory_space<vmem>>, %arg4: memref<1x128xf32, #tpu.memory_space<vmem>>, %arg5: memref<4x2504xi32, #tpu.memory_space<vmem>>, %arg6: memref<32x2xf32, #tpu.memory_space<vmem>>, %arg7: memref<1x2xf32, #tpu.memory_space<vmem>>, %arg8: memref<64x2xf32, #tpu.memory_space<vmem>>) attributes {dimension_semantics = [], scalar_prefetch = 0 : i64, scratch_operands = 0 : i64, tpu.core_type = #tpu.core_type<tc>} {
    %get3A = arith.constant 0 : index
    %get3A_0 = arith.constant 0 : index
    %get3A_1 = arith.constant 0 : index
    %get3A_2 = vector.load %arg0[%get3A, %get3A_0, %get3A_1] : memref<2x2504x128xf32, #tpu.memory_space<vmem>>, vector<1x2504x128xf32>
    %get3A_3 = vector.shape_cast %get3A_2 : vector<1x2504x128xf32> to vector<2504x128xf32>
    %get3A_4 = arith.constant 1 : index
    %get3A_5 = arith.constant 0 : index
    %get3A_6 = arith.constant 0 : index
    %get3A_7 = vector.load %arg0[%get3A_4, %get3A_5, %get3A_6] : memref<2x2504x128xf32, #tpu.memory_space<vmem>>, vector<1x2504x128xf32>
    %get3A_8 = vector.shape_cast %get3A_7 : vector<1x2504x128xf32> to vector<2504x128xf32>
    %add3A = arith.addf %get3A_3, %get3A_8 : vector<2504x128xf32>
    %get3A_9 = arith.constant 0 : index
    %get3A_10 = arith.constant 0 : index
    %get3A_11 = vector.load %arg1[%get3A_9, %get3A_10] : memref<2504x128xf32, #tpu.memory_space<vmem>>, vector<2504x128xf32>
    %add3A_12 = arith.addf %add3A, %get3A_11 : vector<2504x128xf32>
    %get3A_13 = arith.constant 0 : index
    %get3A_14 = arith.constant 0 : index
    %get3A_15 = vector.load %arg2[%get3A_13, %get3A_14] : memref<1x128xf32, #tpu.memory_space<vmem>>, vector<1x128xf32>
    %add3A_16 = vector.broadcast %get3A_15 : vector<1x128xf32> to vector<2504x128xf32>
    %add3A_17 = arith.addf %add3A_12, %add3A_16 : vector<2504x128xf32>
    %max3A = arith.constant 0.000000e+00 : f32
    %max3A_18 = vector.broadcast %max3A : f32 to vector<2504x128xf32>
    %max3A_19 = arith.maximumf %add3A_17, %max3A_18 : vector<2504x128xf32>
    %get3A_20 = arith.constant 0 : index
    %get3A_21 = arith.constant 0 : index
    %get3A_22 = vector.load %arg3[%get3A_20, %get3A_21] : memref<128x128xf32, #tpu.memory_space<vmem>>, vector<128x128xf32>
    %dot_general3A = arith.constant dense<0.000000e+00> : vector<2504x128xf32>
    %dot_general3A_23 = tpu.matmul %max3A_19, %get3A_22, %dot_general3A {dimension_numbers = #tpu.dot_dimension_numbers<[1], [0], [0], [1], [0, 0, 1, 1], [], []>, transpose_lhs_hint = false} : vector<2504x128xf32>, vector<128x128xf32>, vector<2504x128xf32> -> vector<2504x128xf32>
    %get3A_24 = arith.constant 0 : index
    %get3A_25 = arith.constant 0 : index
    %get3A_26 = vector.load %arg4[%get3A_24, %get3A_25] : memref<1x128xf32, #tpu.memory_space<vmem>>, vector<1x128xf32>
    %add3A_27 = vector.broadcast %get3A_26 : vector<1x128xf32> to vector<2504x128xf32>
    %add3A_28 = arith.addf %dot_general3A_23, %add3A_27 : vector<2504x128xf32>
    %max3A_29 = arith.constant 0.000000e+00 : f32
    %max3A_30 = vector.broadcast %max3A_29 : f32 to vector<2504x128xf32>
    %max3A_31 = arith.maximumf %add3A_28, %max3A_30 : vector<2504x128xf32>
    %broadcast_in_dim3A = arith.constant 0.000000e+00 : f32
    %broadcast_in_dim3A_32 = vector.broadcast %broadcast_in_dim3A : f32 to vector<64x32xf32>
    %broadcast_in_dim3A_33 = arith.constant 0.000000e+00 : f32
    %broadcast_in_dim3A_34 = vector.broadcast %broadcast_in_dim3A_33 : f32 to vector<64x1xf32>
    %broadcast_in_dim3A_35 = arith.constant 1.000000e+00 : f32
    %broadcast_in_dim3A_36 = vector.broadcast %broadcast_in_dim3A_35 : f32 to vector<2504x1xf32>
    %get3A_37 = arith.constant 0 : index
    %get3A_38 = arith.constant 0 : index
    %get3A_39 = vector.load %arg5[%get3A_37, %get3A_38] : memref<4x2504xi32, #tpu.memory_space<vmem>>, vector<1x2504xi32>
    %iota3A = tpu.iota {dimensions = array<i32: 0>} : vector<64x2504xi32>
    %eq3A = vector.broadcast %get3A_39 : vector<1x2504xi32> to vector<64x2504xi32>
    %eq3A_40 = arith.cmpi eq, %eq3A, %iota3A : vector<64x2504xi32>
    %convert_element_type3A = arith.extui %eq3A_40 : vector<64x2504xi1> to vector<64x2504xi32>
    %convert_element_type3A_41 = arith.sitofp %convert_element_type3A : vector<64x2504xi32> to vector<64x2504xf32>
    %slice3A = vector.extract_strided_slice %max3A_31 {offsets = [0, 0], sizes = [2504, 32], strides = [1, 1]} : vector<2504x128xf32> to vector<2504x32xf32>
    %dot_general3A_42 = arith.constant dense<0.000000e+00> : vector<64x32xf32>
    %dot_general3A_43 = tpu.matmul %convert_element_type3A_41, %slice3A, %dot_general3A_42 {dimension_numbers = #tpu.dot_dimension_numbers<[1], [0], [0], [1], [0, 0, 1, 1], [], []>, transpose_lhs_hint = false} : vector<64x2504xf32>, vector<2504x32xf32>, vector<64x32xf32> -> vector<64x32xf32>
    %add3A_44 = arith.addf %broadcast_in_dim3A_32, %dot_general3A_43 : vector<64x32xf32>
    %dot_general3A_45 = arith.constant dense<0.000000e+00> : vector<64x1xf32>
    %dot_general3A_46 = tpu.matmul %convert_element_type3A_41, %broadcast_in_dim3A_36, %dot_general3A_45 {dimension_numbers = #tpu.dot_dimension_numbers<[1], [0], [0], [1], [0, 0, 1, 1], [], []>, transpose_lhs_hint = false} : vector<64x2504xf32>, vector<2504x1xf32>, vector<64x1xf32> -> vector<64x1xf32>
    %add3A_47 = arith.addf %broadcast_in_dim3A_34, %dot_general3A_46 : vector<64x1xf32>
    %get3A_48 = arith.constant 1 : index
    %get3A_49 = arith.constant 0 : index
    %get3A_50 = vector.load %arg5[%get3A_48, %get3A_49] : memref<4x2504xi32, #tpu.memory_space<vmem>>, vector<1x2504xi32>
    %iota3A_51 = tpu.iota {dimensions = array<i32: 0>} : vector<64x2504xi32>
    %eq3A_52 = vector.broadcast %get3A_50 : vector<1x2504xi32> to vector<64x2504xi32>
    %eq3A_53 = arith.cmpi eq, %eq3A_52, %iota3A_51 : vector<64x2504xi32>
    %convert_element_type3A_54 = arith.extui %eq3A_53 : vector<64x2504xi1> to vector<64x2504xi32>
    %convert_element_type3A_55 = arith.sitofp %convert_element_type3A_54 : vector<64x2504xi32> to vector<64x2504xf32>
    %slice3A_56 = vector.extract_strided_slice %max3A_31 {offsets = [0, 32], sizes = [2504, 32], strides = [1, 1]} : vector<2504x128xf32> to vector<2504x32xf32>
    %dot_general3A_57 = arith.constant dense<0.000000e+00> : vector<64x32xf32>
    %dot_general3A_58 = tpu.matmul %convert_element_type3A_55, %slice3A_56, %dot_general3A_57 {dimension_numbers = #tpu.dot_dimension_numbers<[1], [0], [0], [1], [0, 0, 1, 1], [], []>, transpose_lhs_hint = false} : vector<64x2504xf32>, vector<2504x32xf32>, vector<64x32xf32> -> vector<64x32xf32>
    %add3A_59 = arith.addf %add3A_44, %dot_general3A_58 : vector<64x32xf32>
    %dot_general3A_60 = arith.constant dense<0.000000e+00> : vector<64x1xf32>
    %dot_general3A_61 = tpu.matmul %convert_element_type3A_55, %broadcast_in_dim3A_36, %dot_general3A_60 {dimension_numbers = #tpu.dot_dimension_numbers<[1], [0], [0], [1], [0, 0, 1, 1], [], []>, transpose_lhs_hint = false} : vector<64x2504xf32>, vector<2504x1xf32>, vector<64x1xf32> -> vector<64x1xf32>
    %add3A_62 = arith.addf %add3A_47, %dot_general3A_61 : vector<64x1xf32>
    %get3A_63 = arith.constant 2 : index
    %get3A_64 = arith.constant 0 : index
    %get3A_65 = vector.load %arg5[%get3A_63, %get3A_64] : memref<4x2504xi32, #tpu.memory_space<vmem>>, vector<1x2504xi32>
    %iota3A_66 = tpu.iota {dimensions = array<i32: 0>} : vector<64x2504xi32>
    %eq3A_67 = vector.broadcast %get3A_65 : vector<1x2504xi32> to vector<64x2504xi32>
    %eq3A_68 = arith.cmpi eq, %eq3A_67, %iota3A_66 : vector<64x2504xi32>
    %convert_element_type3A_69 = arith.extui %eq3A_68 : vector<64x2504xi1> to vector<64x2504xi32>
    %convert_element_type3A_70 = arith.sitofp %convert_element_type3A_69 : vector<64x2504xi32> to vector<64x2504xf32>
    %slice3A_71 = vector.extract_strided_slice %max3A_31 {offsets = [0, 64], sizes = [2504, 32], strides = [1, 1]} : vector<2504x128xf32> to vector<2504x32xf32>
    %dot_general3A_72 = arith.constant dense<0.000000e+00> : vector<64x32xf32>
    %dot_general3A_73 = tpu.matmul %convert_element_type3A_70, %slice3A_71, %dot_general3A_72 {dimension_numbers = #tpu.dot_dimension_numbers<[1], [0], [0], [1], [0, 0, 1, 1], [], []>, transpose_lhs_hint = false} : vector<64x2504xf32>, vector<2504x32xf32>, vector<64x32xf32> -> vector<64x32xf32>
    %add3A_74 = arith.addf %add3A_59, %dot_general3A_73 : vector<64x32xf32>
    %dot_general3A_75 = arith.constant dense<0.000000e+00> : vector<64x1xf32>
    %dot_general3A_76 = tpu.matmul %convert_element_type3A_70, %broadcast_in_dim3A_36, %dot_general3A_75 {dimension_numbers = #tpu.dot_dimension_numbers<[1], [0], [0], [1], [0, 0, 1, 1], [], []>, transpose_lhs_hint = false} : vector<64x2504xf32>, vector<2504x1xf32>, vector<64x1xf32> -> vector<64x1xf32>
    %add3A_77 = arith.addf %add3A_62, %dot_general3A_76 : vector<64x1xf32>
    %get3A_78 = arith.constant 3 : index
    %get3A_79 = arith.constant 0 : index
    %get3A_80 = vector.load %arg5[%get3A_78, %get3A_79] : memref<4x2504xi32, #tpu.memory_space<vmem>>, vector<1x2504xi32>
    %iota3A_81 = tpu.iota {dimensions = array<i32: 0>} : vector<64x2504xi32>
    %eq3A_82 = vector.broadcast %get3A_80 : vector<1x2504xi32> to vector<64x2504xi32>
    %eq3A_83 = arith.cmpi eq, %eq3A_82, %iota3A_81 : vector<64x2504xi32>
    %convert_element_type3A_84 = arith.extui %eq3A_83 : vector<64x2504xi1> to vector<64x2504xi32>
    %convert_element_type3A_85 = arith.sitofp %convert_element_type3A_84 : vector<64x2504xi32> to vector<64x2504xf32>
    %slice3A_86 = vector.extract_strided_slice %max3A_31 {offsets = [0, 96], sizes = [2504, 32], strides = [1, 1]} : vector<2504x128xf32> to vector<2504x32xf32>
    %dot_general3A_87 = arith.constant dense<0.000000e+00> : vector<64x32xf32>
    %dot_general3A_88 = tpu.matmul %convert_element_type3A_85, %slice3A_86, %dot_general3A_87 {dimension_numbers = #tpu.dot_dimension_numbers<[1], [0], [0], [1], [0, 0, 1, 1], [], []>, transpose_lhs_hint = false} : vector<64x2504xf32>, vector<2504x32xf32>, vector<64x32xf32> -> vector<64x32xf32>
    %add3A_89 = arith.addf %add3A_74, %dot_general3A_88 : vector<64x32xf32>
    %dot_general3A_90 = arith.constant dense<0.000000e+00> : vector<64x1xf32>
    %dot_general3A_91 = tpu.matmul %convert_element_type3A_85, %broadcast_in_dim3A_36, %dot_general3A_90 {dimension_numbers = #tpu.dot_dimension_numbers<[1], [0], [0], [1], [0, 0, 1, 1], [], []>, transpose_lhs_hint = false} : vector<64x2504xf32>, vector<2504x1xf32>, vector<64x1xf32> -> vector<64x1xf32>
    %add3A_92 = arith.addf %add3A_77, %dot_general3A_91 : vector<64x1xf32>
    %max3A_93 = arith.constant 1.000000e+00 : f32
    %max3A_94 = vector.broadcast %max3A_93 : f32 to vector<64x1xf32>
    %max3A_95 = arith.maximumf %add3A_92, %max3A_94 : vector<64x1xf32>
    %div3A = vector.broadcast %max3A_95 : vector<64x1xf32> to vector<64x32xf32>
    %div3A_96 = arith.divf %add3A_89, %div3A : vector<64x32xf32>
    %get3A_97 = arith.constant 0 : index
    %get3A_98 = arith.constant 0 : index
    %get3A_99 = vector.load %arg6[%get3A_97, %get3A_98] : memref<32x2xf32, #tpu.memory_space<vmem>>, vector<32x2xf32>
    %dot_general3A_100 = arith.constant dense<0.000000e+00> : vector<64x2xf32>
    %dot_general3A_101 = tpu.matmul %div3A_96, %get3A_99, %dot_general3A_100 {dimension_numbers = #tpu.dot_dimension_numbers<[1], [0], [0], [1], [0, 0, 1, 1], [], []>, transpose_lhs_hint = false} : vector<64x32xf32>, vector<32x2xf32>, vector<64x2xf32> -> vector<64x2xf32>
    %get3A_102 = arith.constant 0 : index
    %get3A_103 = arith.constant 0 : index
    %get3A_104 = vector.load %arg7[%get3A_102, %get3A_103] : memref<1x2xf32, #tpu.memory_space<vmem>>, vector<1x2xf32>
    %add3A_105 = vector.broadcast %get3A_104 : vector<1x2xf32> to vector<64x2xf32>
    %add3A_106 = arith.addf %dot_general3A_101, %add3A_105 : vector<64x2xf32>
    %swap3A = arith.constant 0 : index
    %swap3A_107 = arith.constant 0 : index
    %swap3A_108 = vector.load %arg8[%swap3A, %swap3A_107] : memref<64x2xf32, #tpu.memory_space<vmem>>, vector<64x2xf32>
    tpu.vector_store %arg8[%swap3A, %swap3A_107], %add3A_106 {strides = array<i32>} : memref<64x2xf32, #tpu.memory_space<vmem>>, vector<64x2xf32>,
    return
  }
}

</mosaic_0001>

<sc_bundles>
// kernel: kernel.10.cloned.1.call-start
scs
__scs_entry_jumppad:
0x0: {  	(pc) =	sbr.rel $0x88, $3  }
0x1: {  	(tag) =	ssettag $0x0;
	lr =	simm.s32 $0x1  }
0x2: {  	[smem:$0x3F94] =	sst lr;
	_ =	strace $0xD0000000  }
0x3: {  	_ = 	snop  }
0x4: {  	_ = 	snop  }
0x5: {  	_ = 	snop  }
0x6: {  	_ = 	snop  }
0x7: {  	_ = 	snop  }
__scs_overlays_trampoline_lowered:
0x8: {  	[smem:$0x3FA3] =	sst s0  }
0x9: {  	[smem:$0x3FA4] =	sst s1  }
0xa: {  	[smem:$0x3FA5] =	sst s2  }
0xb: {  	[smem:$0x3FA6] =	sst s3  }
0xc: {  	[smem:$0x3FA7] =	sst s4  }
0xd: {  	[smem:$0x3FA8] =	sst s5  }
0xe: {  	[smem:$0x3FA9] =	sst s6  }
0xf: {  	[smem:$0x3FAA] =	sst s7  }
0x10: {  	[smem:$0x3FAB] =	sst s8  }
0x11: {  	[smem:$0x3FAC] =	sst s9;
	s0 =	simm.s32 @!p0 $0x0  }
0x12: {  	s1 =	sld [smem:$0x3F92];
	s0 =	simm.s32 @p0 $0x1  }
0x13: {  	[smem:$0x3FAD] =	sst s0;
	s0 =	simm.s32 @!p1 $0x0  }
0x14: {  	s2 =	sld [smem:$0x3F91];
	s0 =	simm.s32 @p1 $0x1  }
0x15: {  	[smem:$0x3FAE] =	sst s0;
	s0 =	simm.s32 @!p2 $0x0  }
0x16: {  	s3 =	sld [smem:$0x3FDB];
	s0 =	simm.s32 @p2 $0x1  }
0x17: {  	s4 =	simm.s32 $0x1BF5;
	[smem:$0x3FB0] =	sst s0  }
0x18: {  	s0 =	sld [smem:$0x3F93];
	_ =	swait.ge [sflag:s4], $0x0  }
0x19: {  	s7 =	sld [smem:$0x3F94]  }
0x1a: {  	s8 =	sadd.s32 $0xFFFFE003, lr  }
0x1b: {  	s9 =	sadd.s32 $0xFFFFFEF7, lr;
	s5 =	simm.s32 $0xFFFFFFFF;
	p2 =	slt.u32 s8, $0xFFFFF086  }
0x1c: {  	p1 =	slt.u32 s9, $0xF7A;
	s5 =	simm.s32 @!p2 $0x0  }
0x1d: {  	s5 =	simm.s32 @p1 $0x1;
	p0 =	seq.s32 s7, s2  }
0x1e: {  	s7 =	smul.u32 @!p0 $0xF7A, s2;
	p2 =	seq.s32 @!p0 s5, $0x0  }
0x1f: {  	s9 =	smul.u32 $0xF7A, s1;
	s8 =	simm.s32 @!p0 $0x1BF5;
	p2 =	por !p2, p0  }
0x20: {  	[sflag:s8] =	ssyncset.s32 @!p0 $0xFFFFF086;
	s6 =	sadd.s32 @!p0 s3, s7;
	s7 =	simm.s32 @!p0 $0x108  }
0x21: {  	s3 =	sadd.s32 s3, s9;
	s6 =	sadd.s32 @!p0 $0x88, s6;
	s7 =	simm.s32 @p2 $0x1082  }
0x22: {  	[simem:s7], [sflag:s8] =	dma.local @!p0 [hbm:s6], $0xF7A  }
0x23: {  	s9 =	sor.u32 $0xD0000000, s2;
	s6 =	simm.s32 $0x108;
	_ =	swait.ge @!p0 [sflag:s8], $0x0  }
0x24: {  	s3 =	sadd.s32 $0x88, s3;
	s6 =	simm.s32 @!p1 $0x1082;
	[sflag:s4] =	ssyncset.s32 $0xFFFFF086  }
0x25: {  	[simem:s6], [sflag:s4] =	dma.local [hbm:s3], $0xF7A  }
0x26: {  	[smem:$0x3F94] =	sst s1;
	(tag) =	ssettag s2;
	_ =	strace s9  }
0x27: {  	s1 =	sld [smem:$0x3FA4]  }
0x28: {  	s2 =	sld [smem:$0x3FA5]  }
0x29: {  	s4 =	sld [smem:$0x3FA7]  }
0x2a: {  	p0 =	seq.s32 s5, $0x0;
	s5 =	sld [smem:$0x3FA8]  }
0x2b: {  	s6 =	sld [smem:$0x3FA9]  }
0x2c: {  	s7 =	sld [smem:$0x3FAA]  }
0x2d: {  	s3 =	simm.s32 $0x108;
	s8 =	sld [smem:$0x3FAB]  }
0x2e: {  	s3 =	simm.s32 @!p0 $0x1082;
	s9 =	sld [smem:$0x3FAC]  }
0x2f: {  	lr =	sadd.s32 s0, s3;
	s0 =	sld [smem:$0x3FA3]  }
0x30: {  	s3 =	sld [smem:$0x3FA6]  }
0x31: {  	[smem:$0x3FAF] =	sst s10  }
0x32: {  	s10 =	sld [smem:$0x3FAD];
	_ =	sdelay $0x3  }
0x33: {  	p0 =	seq.s32 s10, $0x1;
	s10 =	sld [smem:$0x3FAF];
	_ =	sdelay $0x3  }
0x34: {  	[smem:$0x3FAF] =	sst s10  }
0x35: {  	s10 =	sld [smem:$0x3FAE];
	_ =	sdelay $0x3  }
0x36: {  	p1 =	seq.s32 s10, $0x1;
	s10 =	sld [smem:$0x3FAF];
	_ =	sdelay $0x3  }
0x37: {  	[smem:$0x3FAF] =	sst s10  }
0x38: {  	s10 =	sld [smem:$0x3FB0]  }
0x39: {  	_ = 	snop;
	(pc) =	sbr.ind lr, $3  }
0x3a: {  	_ = 	snop  }
0x3b: {  	_ = 	snop  }
0x3c: {  	p2 =	seq.s32 s10, $0x1;
	s10 =	sld [smem:$0x3FAF]  }
0x3d: {  	_ =	shalt  }
0x3e: {  	_ =	shalt  }
0x3f: {  	_ =	shalt  }
0x40: {  	_ =	shalt  }
0x41: {  	_ =	shalt  }
0x42: {  	_ =	shalt  }
0x43: {  	_ =	shalt  }
0x44: {  	_ =	shalt  }
0x45: {  	_ =	shalt  }
0x46: {  	_ =	shalt  }
0x47: {  	_ =	shalt  }
0x48: {  	_ =	shalt  }
0x49: {  	_ =	shalt  }
0x4a: {  	_ =	shalt  }
0x4b: {  	_ =	shalt  }
0x4c: {  	_ =	shalt  }
0x4d: {  	_ =	shalt  }
0x4e: {  	_ =	shalt  }
0x4f: {  	_ =	shalt  }
0x50: {  	_ =	shalt  }
0x51: {  	_ =	shalt  }
0x52: {  	_ =	shalt  }
0x53: {  	_ =	shalt  }
0x54: {  	_ =	shalt  }
0x55: {  	_ =	shalt  }
0x56: {  	_ =	shalt  }
0x57: {  	_ =	shalt  }
0x58: {  	_ =	shalt  }
0x59: {  	_ =	shalt  }
0x5a: {  	_ =	shalt  }
0x5b: {  	_ =	shalt  }
0x5c: {  	_ =	shalt  }
0x5d: {  	_ =	shalt  }
0x5e: {  	_ =	shalt  }
0x5f: {  	_ =	shalt  }
0x60: {  	_ =	shalt  }
0x61: {  	_ =	shalt  }
0x62: {  	_ =	shalt  }
0x63: {  	_ =	shalt  }
0x64: {  	_ =	shalt  }
0x65: {  	_ =	shalt  }
0x66: {  	_ =	shalt  }
0x67: {  	_ =	shalt  }
0x68: {  	_ =	shalt  }
0x69: {  	_ =	shalt  }
0x6a: {  	_ =	shalt  }
0x6b: {  	_ =	shalt  }
0x6c: {  	_ =	shalt  }
0x6d: {  	_ =	shalt  }
0x6e: {  	_ =	shalt  }
0x6f: {  	_ =	shalt  }
0x70: {  	_ =	shalt  }
0x71: {  	_ =	shalt  }
0x72: {  	_ =	shalt  }
0x73: {  	_ =	shalt  }
0x74: {  	_ =	shalt  }
0x75: {  	_ =	shalt  }
0x76: {  	_ =	shalt  }
0x77: {  	_ =	shalt  }
0x78: {  	_ =	shalt  }
0x79: {  	_ =	shalt  }
0x7a: {  	_ =	shalt  }
0x7b: {  	_ =	shalt  }
0x7c: {  	_ =	shalt  }
0x7d: {  	_ =	shalt  }
0x7e: {  	_ =	shalt  }
0x7f: {  	_ =	shalt  }
0x80: {  	_ =	shalt  }
0x81: {  	_ =	shalt  }
0x82: {  	_ =	shalt  }
0x83: {  	_ =	shalt  }
0x84: {  	_ =	shalt  }
0x85: {  	_ =	shalt  }
0x86: {  	_ =	shalt  }
0x87: {  	_ =	shalt  }
.Lfunc_end0:
.L_simem_size_0:
called_computation.1_lowered:
.L_overlay_start_0:
0x88: {  	s2 =	sld [smem:$0x3FD9]  }
0x89: {  	s3 =	sld [smem:$0x3FFE];
	_ =	sdelay $0x1  }
0x8a: {  	s1 =	srdreg.scid  }
0x8b: {  	s0 =	sand.u32 $0x1, s1  }
0x8c: {  	s16 =	sshll.u32 s0, $0xA;
	s2 =	sadd.s32 s3, s2  }
0x8d: {  	s2 =	sadd.s32 s2, s16  }
0x8e: {  	[smem:$0x3FBB] =	sst s2  }
0x8f: {  	_ = 	snop  }
0x90: {  	(tm) =	ssettm $0x1  }
0x91: {  	s17 =	sld [smem:$0x3FFB];
	_ =	sdelay $0x3  }
0x92: {  	_ =	strace s17  }
0x93: {  	s2 =	sld [smem:$0x3FFC];
	_ =	sdelay $0x3  }
0x94: {  	_ =	strace s2  }
0x95: {  	s2 =	sld [smem:$0x3FFD];
	_ =	sdelay $0x3  }
0x96: {  	_ =	strace s2  }
0x97: {  	_ =	strace $0x8FFFFFFF  }
0x98: {  	s18 =	sld [smem:$0x3FDB];
	_ =	sdelay $0x1  }
0x99: {  	s19 =	simm.s32 $_scs_section_size  }
0x9a: {  	s4 =	simm.s32 $_size__tile_overlayer_lowered;
	s5 =	simm.s32 $_tile_overlayer_lowered  }
0x9b: {  	s22 =	simm.s32 $0x1BFF;
	s21 =	sshll.u32 s5, $0x1;
	s2 =	sadd.s32 s19, s18  }
0x9c: {  	s6 =	simm.s32 $0x0;
	s20 =	sshll.u32 s4, $0x1;
	s4 =	sadd.s32 s21, s2  }
0x9d: {  	[timem:s6], [sflag:s22] =	dma.local [hbm:s4], s20  }
0x9e: {  	_ =	swait.ge [sflag:s22], s20  }
0x9f: {  	s3 =	ssub.s32 $0x0, s20;
	[sflag:s22] =	ssyncset.done $0x0  }
0xa0: {  	[sflag:s22] =	ssyncadd.s32 s3;
	_ =	sdelay $0x1  }
0xa1: {  	s23 =	simm.s32 $0x1B8B  }
0xa2: {  	_ =	swait.ge [sflag:s23], $0x1  }
0xa3: {  	[sflag:s23] =	ssyncset.done $0x0  }
0xa4: {  	s25 =	simm.s32 $0x1B8E;
	s24 =	sld [smem:$0x3FFE];
	[sflag:s23] =	ssyncadd.s32 $0xFFFFFFFF  }
0xa5: {  	s26 =	simm.s32 $execute0_lowered;
	[smem:$0x3FD2] =	sst s25  }
0xa6: {  	s4 =	sshll.u32 s26, $0x1;
	_ =	strace $0x80000049;
	[dreg:$0x1] =	wrdreg $0xFFFFFFFF  }
0xa7: {  	s28 =	simm.s32 $_size_execute0_lowered;
	s2 =	sadd.s32 s2, s4;
	[dreg:$0x0] =	wrdreg $0x0  }
0xa8: {  	s4 =	sshll.u32 s28, $0x1;
	[dreg:$0x2] =	wrdreg s2  }
0xa9: {  	[dreg:$0x3] =	wrdreg s4  }
0xaa: {  	[dreg:$0x4] =	wrdreg $0xC0  }
0xab: {  	_ =	task [dreg:s6], $0x5FFFF  }
0xac: {  	[dreg:$0x1] =	wrdreg $0xFFFFFFFF  }
0xad: {  	[dreg:$0x0] =	wrdreg $0x60  }
0xae: {  	[dreg:$0x2] =	wrdreg s24  }
0xaf: {  	[dreg:$0x3] =	wrdreg $0x80200  }
0xb0: {  	[dreg:$0x4] =	wrdreg $0xCE600  }
0xb1: {  	[dreg:$0x5] =	wrdreg $0x9  }
0xb2: {  	_ =	task.clear_ibuf [dreg:s6], $0x6FFFF;
	_ =	strace $0x90000049  }
0xb3: {  	s29 =	simm.s32 $0x9;
	_ =	strace $0x8000004B  }
0xb4: {  	_ =	swait.ge [sflag:s29], $0x1  }
0xb5: {  	[sflag:s29] =	ssyncadd.s32 $0xFFFFFFFF  }
0xb6: {  	_ =	strace $0x9000004B  }
0xb7: {  	_ =	sfence  }
0xb8: {  	s30 =	sld [smem:$0x0];
	_ =	sdelay $0x2  }
0xb9: {  	s31 =	sshll.u32 s1, $0xD;
	s1 =	sshrl.u32 s1, $0x2  }
0xba: {  	s3 =	sand.u32 $0x4000, s31;
	s1 =	sadd.s32 s1, s30  }
0xbb: {  	s0 =	sor.u32 s3, s0;
	s1 =	sshll.u32 s1, $0x11  }
0xbc: {  	s0 =	sor.u32 s1, s0  }
0xbd: {  	s0 =	sadd.s32 $0x8F2B, s0  }
0xbe: {  	[sflag:s0] =	ssyncadd.remote.s32 $0x1  }
0xbf: {  	_ =	sfence.sel $0xFFFF  }
0xc0: {  	[dreg:$0x0] =	wrdreg $0xFFFFFFFF;
	(pc) =	sbr.abs _section_cstart, $3  }
0xc1: {  	[dreg:$0x1] =	wrdreg $0xFFFFFFFF  }
0xc2: {  	_ =	task.clear_ibuf [dreg:s6], $0x2FFFF;
	_ =	strace $0x9FFFFFFF  }
0xc3: {  	(tm) =	ssettm $0x7FFFFFFF  }
tec
execute0_lowered:
.L_overlay_start_1:
0x0: {  	(tag) =	ssettag $0x1  }
0x1: {  	s1 =	rddreg [dreg:$0x0]  }
0x2: {  	s0 =	rddreg [dreg:$0x1]  }
0x3: {  	s3 =	srdreg.scid;
	s4 =	stileid.u32  }
0x4: {  	s2 =	rddreg [dreg:$0x2];
	s12 =	simm.s32 $0xB;
	s13 =	simm.s32 $0x2710  }
0x5: {  	s14 =	simm.s32 $0x50;
	s15 =	simm.s32 $0x4E20;
	s16 =	simm.s32 $0x5820  }
0x6: {  	s18 =	simm.s32 $0x6220;
	s20 =	simm.s32 $0x6C20;
	s22 =	simm.s32 $0x7620  }
0x7: {  	s29 =	simm.s32 $0x7;
	s31 =	simm.s32 $0x3;
	s11 =	simm.s32 $0x8  }
0x8: {  	s17 =	simm.s32 $0x9;
	s21 =	simm.s32 $0x5;
	s28 =	simm.s32 $0xA  }
0x9: {  	s30 =	simm.s32 $0x26C0;
	s5 =	sand.u32 $0x1, s3;
	s6 =	sshll.u32 s4, $0x1  }
0xa: {  	s3 =	simm.s32 $0x0;
	s7 =	sadd.s32 $0x16800, s1;
	s24 =	sadd.s32 $0x20600, s1  }
0xb: {  	p0 =	seq.s32 s4, $0x1;
	s26 =	sshrl.u32 s2, $0x3;
	p1 =	sne.s32 s4, $0x0  }
0xc: {  	s6 =	sor.u32 s5, s6;
	[smem:$0x7FF] =	sst s3;
	s23 =	smul.u32 $0x9C80, s5  }
0xd: {  	s5 =	ssub.s32 $0x2, s5;
	_ =	strace $0x8000004A;
	[dreg:$0x4] =	wrdreg s7  }
0xe: {  	s6 =	smul.u32 $0x2710, s6;
	[dreg:$0x5] =	wrdreg s24;
	s25 =	sshrl.u32 s5, $0x1  }
0xf: {  	[dreg:$0x6] =	wrdreg s26;
	s24 =	simm.s32 $0x6;
	s26 =	simm.s32 $0x2  }
0x10: {  	s5 =	ssub.s32 s5, s25;
	s25 =	simm.s32 $0x2850;
	s6 =	sshrl.u32 s6, $0x3  }
0x11: {  	s9 =	smax.u32 s5, $0x1;
	s5 =	simm.s32 $0x4;
	s8 =	sadd.s32 s6, s1  }
0x12: {  	s1 =	sadd.s32 s23, s1;
	s23 =	simm.s32 $0x1;
	s6 =	sadd.s32 $0x2E00, s8  }
0x13: {  	s7 =	sadd.s32 $0xCA40, s8;
	s8 =	sadd.s32 $0x2A400, s1;
	s1 =	simm.s32 $0x4DD0  }
.LBB2_1:
.Ltmp0:
0x14: {  	(pc) =	sbr.rel @p0 .LBB2_4-.Ltmp0, $1  }
0x15: {  	_ =	sdelay $0x3  }
.Ltmp1:
0x16: {  	(pc) =	sbr.rel @p1 .LBB2_6-.Ltmp1, $1  }
0x17: {  	_ =	sdelay $0x3  }
.Ltmp2:
0x18: {  	(pc) =	sbr.rel .LBB2_5-.Ltmp2, $3  }
0x19: {  	_ =	sdelay $0x1  }
0x1a: {  	s4 =	sshrl.u32 s0, $0x3;
	s10 =	rddreg [dreg:$0x5];
	s19 =	simm.s32 $0x1C0B  }
0x1b: {  	[spmem:s4], [sflag:s19] =	dma.local [hbm:s10], $0x9C80  }
.LBB2_4:
0x1c: {  	s4 =	rddreg [dreg:$0x4]  }
0x1d: {  	s10 =	rddreg [dreg:$0x6];
	s19 =	simm.s32 $0x1C4B  }
0x1e: {  	[spmem:s10], [sflag:s19] =	dma.local [hbm:s4], $0x9C80  }
.LBB2_5:
0x1f: {  	_ =	swait.ge [sflag:s12], $0x9C80  }
0x20: {  	[sflag:s12] =	ssyncset.done $0x0  }
0x21: {  	[sflag:s12] =	ssyncadd.s32 $0xFFFF6380  }
.LBB2_6:
0x22: {  	[bflag:$0x0] =	sbarrier.arrive $0xFFFF;
	s4 =	simm.s32 $0x0  }
0x23: {  	[tilespmem:s4], [sflag:$0xB] =	stream.linear.gather [hbm4b:s6+s4], $0x2710, $0x38;
	[tilespmem:$0x11CA0] =	vst v63  }
0x24: {  	_ =	swait.ge [sflag:s12], $0x2710  }
0x25: {  	[sflag:s12] =	ssyncset.done $0x0  }
0x26: {  	[sflag:s12] =	ssyncadd.s32 $0xFFFFD8F0  }
0x27: {  	[tilespmem:s13], [sflag:$0xB] =	stream.linear.gather [hbm4b:s7+s4], $0x2710, $0x38;
	[tilespmem:$0x11CA0] =	vst v63  }
0x28: {  	_ =	swait.ge [sflag:s12], $0x2710  }
0x29: {  	[sflag:s12] =	ssyncset.done $0x0  }
0x2a: {  	[sflag:s12] =	ssyncadd.s32 $0xFFFFD8F0  }
0x2b: {  	[tilespmem:s15], [sflag:$0x1] =	stream.indirect.gather [spmem:s2], $0x20, s4, s14, $0xb8;
	[tilespmem:$0x11CA0] =	vst v63  }
0x2c: {  	_ = 	snop  }
0x2d: {  	[tilespmem:s16], [sflag:$0x2] =	stream.indirect.gather [spmem:s2], $0x20, s14, s14, $0xb8;
	[tilespmem:$0x11CA0] =	vst v63  }
0x2e: {  	s19 =	simm.s32 $0xA0  }
0x2f: {  	[tilespmem:s18], [sflag:$0x3] =	stream.indirect.gather [spmem:s2], $0x20, s19, s14, $0xb8;
	[tilespmem:$0x11CA0] =	vst v63  }
0x30: {  	s10 =	simm.s32 $0xF0  }
0x31: {  	[tilespmem:s20], [sflag:$0x4] =	stream.indirect.gather [spmem:s2], $0x20, s10, s14, $0xb8;
	[tilespmem:$0x11CA0] =	vst v63  }
0x32: {  	s19 =	simm.s32 $0x140  }
0x33: {  	[tilespmem:s22], [sflag:$0x5] =	stream.indirect.gather [spmem:s2], $0x20, s19, s14, $0xb8;
	[tilespmem:$0x11CA0] =	vst v63  }
0x34: {  	_ =	swait.ge [sflag:s23], $0xA00  }
0x35: {  	[sflag:s23] =	ssyncset.done $0x0  }
0x36: {  	[sflag:s23] =	ssyncadd.s32 $0xFFFFF600  }
0x37: {  	[spmem:s0] =	stream.indirect.scatter.add.f32 [tilespmem:s15], [sflag:$0x6], $0x20, s13, s14, $0xb8;
	[tilespmem:$0x11CA0] =	vst v63  }
0x38: {  	_ =	swait.ge [sflag:s24], $0xA00  }
0x39: {  	[sflag:s24] =	ssyncset.done $0x0  }
0x3a: {  	s10 =	simm.s32 $0x190;
	[sflag:s24] =	ssyncadd.s32 $0xFFFFF600  }
0x3b: {  	[tilespmem:s15], [sflag:$0x1] =	stream.indirect.gather [spmem:s2], $0x20, s10, s14, $0xb8;
	[tilespmem:$0x11CA0] =	vst v63  }
0x3c: {  	_ =	swait.ge [sflag:s26], $0xA00  }
0x3d: {  	[sflag:s26] =	ssyncset.done $0x0  }
0x3e: {  	s19 =	simm.s32 $0x2760;
	[sflag:s26] =	ssyncadd.s32 $0xFFFFF600  }
0x3f: {  	[spmem:s0] =	stream.indirect.scatter.add.f32 [tilespmem:s16], [sflag:$0x7], $0x20, s19, s14, $0xb8;
	[tilespmem:$0x11CA0] =	vst v63  }
0x40: {  	_ =	swait.ge [sflag:s29], $0xA00  }
0x41: {  	[sflag:s29] =	ssyncset.done $0x0  }
0x42: {  	s10 =	simm.s32 $0x1E0;
	[sflag:s29] =	ssyncadd.s32 $0xFFFFF600  }
0x43: {  	[tilespmem:s16], [sflag:$0x2] =	stream.indirect.gather [spmem:s2], $0x20, s10, s14, $0xb8;
	[tilespmem:$0x11CA0] =	vst v63  }
0x44: {  	_ =	swait.ge [sflag:s31], $0xA00  }
0x45: {  	[sflag:s31] =	ssyncset.done $0x0  }
0x46: {  	s19 =	simm.s32 $0x27B0;
	[sflag:s31] =	ssyncadd.s32 $0xFFFFF600  }
0x47: {  	[spmem:s0] =	stream.indirect.scatter.add.f32 [tilespmem:s18], [sflag:$0x8], $0x20, s19, s14, $0xb8;
	[tilespmem:$0x11CA0] =	vst v63  }
0x48: {  	_ =	swait.ge [sflag:s11], $0xA00  }
0x49: {  	[sflag:s11] =	ssyncset.done $0x0  }
0x4a: {  	s10 =	simm.s32 $0x230;
	[sflag:s11] =	ssyncadd.s32 $0xFFFFF600  }
0x4b: {  	[tilespmem:s18], [sflag:$0x3] =	stream.indirect.gather [spmem:s2], $0x20, s10, s14, $0xb8;
	[tilespmem:$0x11CA0] =	vst v63  }
0x4c: {  	_ =	swait.ge [sflag:s5], $0xA00  }
0x4d: {  	[sflag:s5] =	ssyncset.done $0x0  }
0x4e: {  	s19 =	simm.s32 $0x2800;
	[sflag:s5] =	ssyncadd.s32 $0xFFFFF600  }
0x4f: {  	[spmem:s0] =	stream.indirect.scatter.add.f32 [tilespmem:s20], [sflag:$0x9], $0x20, s19, s14, $0xb8;
	[tilespmem:$0x11CA0] =	vst v63  }
0x50: {  	_ =	swait.ge [sflag:s17], $0xA00  }
0x51: {  	[sflag:s17] =	ssyncset.done $0x0  }
0x52: {  	s10 =	simm.s32 $0x280;
	[sflag:s17] =	ssyncadd.s32 $0xFFFFF600  }
0x53: {  	[tilespmem:s20], [sflag:$0x4] =	stream.indirect.gather [spmem:s2], $0x20, s10, s14, $0xb8;
	[tilespmem:$0x11CA0] =	vst v63  }
0x54: {  	_ =	swait.ge [sflag:s21], $0xA00  }
0x55: {  	[sflag:s21] =	ssyncset.done $0x0  }
0x56: {  	[sflag:s21] =	ssyncadd.s32 $0xFFFFF600  }
0x57: {  	[spmem:s0] =	stream.indirect.scatter.add.f32 [tilespmem:s22], [sflag:$0xA], $0x20, s25, s14, $0xb8;
	[tilespmem:$0x11CA0] =	vst v63  }
0x58: {  	_ =	swait.ge [sflag:s28], $0xA00  }
0x59: {  	[sflag:s28] =	ssyncset.done $0x0  }
0x5a: {  	s19 =	simm.s32 $0x2D0;
	[sflag:s28] =	ssyncadd.s32 $0xFFFFF600  }
0x5b: {  	[tilespmem:s22], [sflag:$0x5] =	stream.indirect.gather [spmem:s2], $0x20, s19, s14, $0xb8;
	[tilespmem:$0x11CA0] =	vst v63  }
0x5c: {  	_ =	swait.ge [sflag:s23], $0xA00  }
0x5d: {  	[sflag:s23] =	ssyncset.done $0x0  }
0x5e: {  	s10 =	simm.s32 $0x28A0;
	[sflag:s23] =	ssyncadd.s32 $0xFFFFF600  }
0x5f: {  	[spmem:s0] =	stream.indirect.scatter.add.f32 [tilespmem:s15], [sflag:$0x6], $0x20, s10, s14, $0xb8;
	[tilespmem:$0x11CA0] =	vst v63  }
0x60: {  	_ =	swait.ge [sflag:s24], $0xA00  }
0x61: {  	[sflag:s24] =	ssyncset.done $0x0  }
0x62: {  	s19 =	simm.s32 $0x320;
	[sflag:s24] =	ssyncadd.s32 $0xFFFFF600  }
0x63: {  	[tilespmem:s15], [sflag:$0x1] =	stream.indirect.gather [spmem:s2], $0x20, s19, s14, $0xb8;
	[tilespmem:$0x11CA0] =	vst v63  }
0x64: {  	_ =	swait.ge [sflag:s26], $0xA00  }
0x65: {  	[sflag:s26] =	ssyncset.done $0x0  }
0x66: {  	s10 =	simm.s32 $0x28F0;
	[sflag:s26] =	ssyncadd.s32 $0xFFFFF600  }
0x67: {  	[spmem:s0] =	stream.indirect.scatter.add.f32 [tilespmem:s16], [sflag:$0x7], $0x20, s10, s14, $0xb8;
	[tilespmem:$0x11CA0] =	vst v63  }
0x68: {  	_ =	swait.ge [sflag:s29], $0xA00  }
0x69: {  	[sflag:s29] =	ssyncset.done $0x0  }
0x6a: {  	s19 =	simm.s32 $0x370;
	[sflag:s29] =	ssyncadd.s32 $0xFFFFF600  }
0x6b: {  	[tilespmem:s16], [sflag:$0x2] =	stream.indirect.gather [spmem:s2], $0x20, s19, s14, $0xb8;
	[tilespmem:$0x11CA0] =	vst v63  }
0x6c: {  	_ =	swait.ge [sflag:s31], $0xA00  }
0x6d: {  	[sflag:s31] =	ssyncset.done $0x0  }
0x6e: {  	s10 =	simm.s32 $0x2940;
	[sflag:s31] =	ssyncadd.s32 $0xFFFFF600  }
0x6f: {  	[spmem:s0] =	stream.indirect.scatter.add.f32 [tilespmem:s18], [sflag:$0x8], $0x20, s10, s14, $0xb8;
	[tilespmem:$0x11CA0] =	vst v63  }
0x70: {  	_ =	swait.ge [sflag:s11], $0xA00  }
0x71: {  	[sflag:s11] =	ssyncset.done $0x0  }
0x72: {  	s19 =	simm.s32 $0x3C0;
	[sflag:s11] =	ssyncadd.s32 $0xFFFFF600  }
0x73: {  	[tilespmem:s18], [sflag:$0x3] =	stream.indirect.gather [spmem:s2], $0x20, s19, s14, $0xb8;
	[tilespmem:$0x11CA0] =	vst v63  }
0x74: {  	_ =	swait.ge [sflag:s5], $0xA00  }
0x75: {  	[sflag:s5] =	ssyncset.done $0x0  }
0x76: {  	s10 =	simm.s32 $0x2990;
	[sflag:s5] =	ssyncadd.s32 $0xFFFFF600  }
0x77: {  	[spmem:s0] =	stream.indirect.scatter.add.f32 [tilespmem:s20], [sflag:$0x9], $0x20, s10, s14, $0xb8;
	[tilespmem:$0x11CA0] =	vst v63  }
0x78: {  	_ =	swait.ge [sflag:s17], $0xA00  }
0x79: {  	[sflag:s17] =	ssyncset.done $0x0  }
0x7a: {  	s19 =	simm.s32 $0x410;
	[sflag:s17] =	ssyncadd.s32 $0xFFFFF600  }
0x7b: {  	[tilespmem:s20], [sflag:$0x4] =	stream.indirect.gather [spmem:s2], $0x20, s19, s14, $0xb8;
	[tilespmem:$0x11CA0] =	vst v63  }
0x7c: {  	_ =	swait.ge [sflag:s21], $0xA00  }
0x7d: {  	[sflag:s21] =	ssyncset.done $0x0  }
0x7e: {  	s4 =	simm.s32 $0x640;
	s10 =	simm.s32 $0x29E0;
	[sflag:s21] =	ssyncadd.s32 $0xFFFFF600  }
.LBB2_7:
0x7f: {  	[spmem:s0] =	stream.indirect.scatter.add.f32 [tilespmem:s22], [sflag:$0xA], $0x20, s10, s14, $0xb8;
	[tilespmem:$0x11CA0] =	vst v63  }
0x80: {  	s10 =	smov.u32 s4;
	s4 =	sadd.s32 $0x640, s4;
	_ =	swait.ge [sflag:s28], $0xA00  }
0x81: {  	s10 =	sshra.s32 s10, $0x2;
	p2 =	sne.s32 s4, $0x8FC0;
	[sflag:s28] =	ssyncset.done $0x0  }
0x82: {  	s19 =	sadd.s32 $0x2D0, s10;
	[sflag:s28] =	ssyncadd.s32 $0xFFFFF600  }
0x83: {  	[tilespmem:s22], [sflag:$0x5] =	stream.indirect.gather [spmem:s2], $0x20, s19, s14, $0xb8;
	[tilespmem:$0x11CA0] =	vst v63  }
0x84: {  	_ =	swait.ge [sflag:s23], $0xA00  }
0x85: {  	[sflag:s23] =	ssyncset.done $0x0  }
0x86: {  	s19 =	sadd.s32 $0x28A0, s10;
	[sflag:s23] =	ssyncadd.s32 $0xFFFFF600  }
0x87: {  	[spmem:s0] =	stream.indirect.scatter.add.f32 [tilespmem:s15], [sflag:$0x6], $0x20, s19, s14, $0xb8;
	[tilespmem:$0x11CA0] =	vst v63  }
0x88: {  	_ =	swait.ge [sflag:s24], $0xA00  }
0x89: {  	[sflag:s24] =	ssyncset.done $0x0  }
0x8a: {  	s19 =	sadd.s32 $0x320, s10;
	[sflag:s24] =	ssyncadd.s32 $0xFFFFF600  }
0x8b: {  	[tilespmem:s15], [sflag:$0x1] =	stream.indirect.gather [spmem:s2], $0x20, s19, s14, $0xb8;
	[tilespmem:$0x11CA0] =	vst v63  }
0x8c: {  	_ =	swait.ge [sflag:s26], $0xA00  }
0x8d: {  	[sflag:s26] =	ssyncset.done $0x0  }
0x8e: {  	s19 =	sadd.s32 $0x28F0, s10;
	[sflag:s26] =	ssyncadd.s32 $0xFFFFF600  }
0x8f: {  	[spmem:s0] =	stream.indirect.scatter.add.f32 [tilespmem:s16], [sflag:$0x7], $0x20, s19, s14, $0xb8;
	[tilespmem:$0x11CA0] =	vst v63  }
0x90: {  	_ =	swait.ge [sflag:s29], $0xA00  }
0x91: {  	[sflag:s29] =	ssyncset.done $0x0  }
0x92: {  	s19 =	sadd.s32 $0x370, s10;
	[sflag:s29] =	ssyncadd.s32 $0xFFFFF600  }
0x93: {  	[tilespmem:s16], [sflag:$0x2] =	stream.indirect.gather [spmem:s2], $0x20, s19, s14, $0xb8;
	[tilespmem:$0x11CA0] =	vst v63  }
0x94: {  	_ =	swait.ge [sflag:s31], $0xA00  }
0x95: {  	[sflag:s31] =	ssyncset.done $0x0  }
0x96: {  	s19 =	sadd.s32 $0x2940, s10;
	[sflag:s31] =	ssyncadd.s32 $0xFFFFF600  }
0x97: {  	[spmem:s0] =	stream.indirect.scatter.add.f32 [tilespmem:s18], [sflag:$0x8], $0x20, s19, s14, $0xb8;
	[tilespmem:$0x11CA0] =	vst v63  }
0x98: {  	_ =	swait.ge [sflag:s11], $0xA00  }
0x99: {  	[sflag:s11] =	ssyncset.done $0x0  }
0x9a: {  	s19 =	sadd.s32 $0x3C0, s10;
	[sflag:s11] =	ssyncadd.s32 $0xFFFFF600  }
0x9b: {  	[tilespmem:s18], [sflag:$0x3] =	stream.indirect.gather [spmem:s2], $0x20, s19, s14, $0xb8;
	[tilespmem:$0x11CA0] =	vst v63  }
0x9c: {  	_ =	swait.ge [sflag:s5], $0xA00  }
0x9d: {  	[sflag:s5] =	ssyncset.done $0x0  }
0x9e: {  	s19 =	sadd.s32 $0x2990, s10;
	[sflag:s5] =	ssyncadd.s32 $0xFFFFF600  }
0x9f: {  	[spmem:s0] =	stream.indirect.scatter.add.f32 [tilespmem:s20], [sflag:$0x9], $0x20, s19, s14, $0xb8;
	[tilespmem:$0x11CA0] =	vst v63  }
0xa0: {  	_ =	swait.ge [sflag:s17], $0xA00  }
0xa1: {  	[sflag:s17] =	ssyncset.done $0x0  }
.Ltmp3:
0xa2: {  	s19 =	sadd.s32 $0x410, s10;
	[sflag:s17] =	ssyncadd.s32 $0xFFFFF600;
	(pc) =	sbr.rel @p2 .LBB2_7-.Ltmp3, $4  }
0xa3: {  	[tilespmem:s20], [sflag:$0x4] =	stream.indirect.gather [spmem:s2], $0x20, s19, s14, $0xb8;
	[tilespmem:$0x11CA0] =	vst v63  }
0xa4: {  	_ =	swait.ge [sflag:s21], $0xA00  }
0xa5: {  	[sflag:s21] =	ssyncset.done $0x0  }
0xa6: {  	s10 =	sadd.s32 $0x29E0, s10;
	[sflag:s21] =	ssyncadd.s32 $0xFFFFF600  }
0xa7: {  	[spmem:s0] =	stream.indirect.scatter.add.f32 [tilespmem:s22], [sflag:$0xA], $0x20, s10, s14, $0xb8;
	[tilespmem:$0x11CA0] =	vst v63  }
0xa8: {  	_ =	swait.ge [sflag:s28], $0xA00  }
0xa9: {  	[sflag:s28] =	ssyncset.done $0x0  }
0xaa: {  	[sflag:s28] =	ssyncadd.s32 $0xFFFFF600  }
0xab: {  	[tilespmem:s22], [sflag:$0x5] =	stream.indirect.gather [spmem:s2], $0x20, s30, s14, $0xb8;
	[tilespmem:$0x11CA0] =	vst v63  }
0xac: {  	_ =	swait.ge [sflag:s23], $0xA00  }
0xad: {  	s4 =	sshra.s32 s4, $0x2;
	[sflag:s23] =	ssyncset.done $0x0  }
0xae: {  	s19 =	sadd.s32 $0x28A0, s4;
	[sflag:s23] =	ssyncadd.s32 $0xFFFFF600  }
0xaf: {  	[spmem:s0] =	stream.indirect.scatter.add.f32 [tilespmem:s15], [sflag:$0x6], $0x20, s19, s14, $0xb8;
	[tilespmem:$0x11CA0] =	vst v63  }
0xb0: {  	_ =	swait.ge [sflag:s26], $0xA00  }
0xb1: {  	[sflag:s26] =	ssyncset.done $0x0  }
0xb2: {  	s19 =	sadd.s32 $0x28F0, s4;
	[sflag:s26] =	ssyncadd.s32 $0xFFFFF600  }
0xb3: {  	[spmem:s0] =	stream.indirect.scatter.add.f32 [tilespmem:s16], [sflag:$0x7], $0x20, s19, s14, $0xb8;
	[tilespmem:$0x11CA0] =	vst v63  }
0xb4: {  	_ =	swait.ge [sflag:s31], $0xA00  }
0xb5: {  	[sflag:s31] =	ssyncset.done $0x0  }
0xb6: {  	s19 =	sadd.s32 $0x2940, s4;
	[sflag:s31] =	ssyncadd.s32 $0xFFFFF600  }
0xb7: {  	[spmem:s0] =	stream.indirect.scatter.add.f32 [tilespmem:s18], [sflag:$0x8], $0x20, s19, s14, $0xb8;
	[tilespmem:$0x11CA0] =	vst v63  }
0xb8: {  	_ =	swait.ge [sflag:s5], $0xA00  }
0xb9: {  	[sflag:s5] =	ssyncset.done $0x0  }
0xba: {  	s4 =	sadd.s32 $0x2990, s4;
	[sflag:s5] =	ssyncadd.s32 $0xFFFFF600  }
0xbb: {  	[spmem:s0] =	stream.indirect.scatter.add.f32 [tilespmem:s20], [sflag:$0x9], $0x20, s4, s14, $0xb8;
	[tilespmem:$0x11CA0] =	vst v63  }
0xbc: {  	_ =	swait.ge [sflag:s21], $0xA00  }
0xbd: {  	[sflag:s21] =	ssyncset.done $0x0  }
0xbe: {  	[sflag:s21] =	ssyncadd.s32 $0xFFFFF600  }
0xbf: {  	[spmem:s0] =	stream.indirect.scatter.add.f32 [tilespmem:s22], [sflag:$0xA], $0x20, s1, s14, $0xb8;
	[tilespmem:$0x11CA0] =	vst v63  }
0xc0: {  	_ =	swait.ge [sflag:s24], $0xA00  }
0xc1: {  	[sflag:s24] =	ssyncset.done $0x0  }
0xc2: {  	[sflag:s24] =	ssyncadd.s32 $0xFFFFF600  }
0xc3: {  	_ =	swait.ge [sflag:s29], $0xA00  }
0xc4: {  	[sflag:s29] =	ssyncset.done $0x0  }
0xc5: {  	[sflag:s29] =	ssyncadd.s32 $0xFFFFF600  }
0xc6: {  	_ =	swait.ge [sflag:s11], $0xA00  }
0xc7: {  	[sflag:s11] =	ssyncset.done $0x0  }
0xc8: {  	[sflag:s11] =	ssyncadd.s32 $0xFFFFF600  }
0xc9: {  	_ =	swait.ge [sflag:s17], $0xA00  }
0xca: {  	[sflag:s17] =	ssyncset.done $0x0  }
0xcb: {  	[sflag:s17] =	ssyncadd.s32 $0xFFFFF600  }
0xcc: {  	_ =	swait.ge [sflag:s28], $0xA00  }
0xcd: {  	[sflag:s28] =	ssyncset.done $0x0  }
0xce: {  	s10 =	simm.s32 @!p1 $0x1C0B;
	s3 =	sadd.s32 $0x1, s3;
	[sflag:s28] =	ssyncadd.s32 $0xFFFFF600  }
0xcf: {  	p2 =	sne.s32 s3, s9;
	s4 =	sshrl.u32 @!p1 s0, $0x3;
	[bflag:$0x0] =	sbarrier.arrive $0xFFFF  }
0xd0: {  	[hbm:s8], [sflag:s10] =	dma.local @!p1 [spmem:s4], $0x9C80  }
.Ltmp4:
0xd1: {  	_ = 	snop;
	(pc) =	sbr.rel @p2 .LBB2_1-.Ltmp4, $4  }
0xd2: {  	s4 =	simm.s32 @!p1 $0xB  }
0xd3: {  	_ =	swait.ge @!p1 [sflag:s4], $0x9C80  }
0xd4: {  	[sflag:s4] =	ssyncset.done @!p1 $0x0  }
0xd5: {  	[sflag:s4] =	ssyncadd.s32 @!p1 $0xFFFF6380  }
0xd6: {  	_ =	sfence.sel $0x180000  }
0xd7: {  	[bflag:$0x0] =	sbarrier.arrive $0xFFFF  }
0xd8: {  	_ =	strace $0x9000004A  }
0xd9: {  	[bflag:$0x2] =	sbarrier.arrive $0xFFFF  }
0xda: {  	s0 =	rddreg [dreg:$0x3]  }
0xdb: {  	s0 =	sadd.s32 @!p1 $0x100000, s0  }
0xdc: {  	[sflag:s0] =	ssyncadd.tile.s32 @!p1 $0x1;
	_ =	shalt  }
.Lfunc_end2:
_tile_overlayer_lowered:
.L_overlay_start_2:
0xdd: {  	(tag) =	ssettag $0x2  }
0xde: {  	s0 =	rddreg [dreg:$0x0];
	s2 =	stileid.u32  }
0xdf: {  	s1 =	rddreg [dreg:$0x1];
	p0 =	sne.s32 s2, $0x0  }
0xe0: {  	s3 =	rddreg [dreg:$0x2];
	[bflag:$0x3] =	sbarrier.arrive $0xFFFF;
	s2 =	simm.s32 @!p0 $0x1C0B  }
0xe1: {  	[timem:s3], [sflag:s2] =	dma.local @!p0 [hbm:s0], s1  }
0xe2: {  	s0 =	simm.s32 @!p0 $0xB  }
0xe3: {  	_ =	swait.ge @!p0 [sflag:s0], s1  }
0xe4: {  	s1 =	ssub.s32 @!p0 $0x0, s1;
	[sflag:s0] =	ssyncset.done @!p0 $0x0  }
0xe5: {  	[sflag:s0] =	ssyncadd.s32 @!p0 s1  }
0xe6: {  	[bflag:$0x3] =	sbarrier.arrive $0xFFFF  }
0xe7: {  	_ =	shalt  }

// kernel: kernel.7.cloned.1.call-start
scs
__scs_entry_jumppad:
0x0: {  	(pc) =	sbr.rel $0x88, $3  }
0x1: {  	(tag) =	ssettag $0x0;
	lr =	simm.s32 $0x1  }
0x2: {  	[smem:$0x3F94] =	sst lr;
	_ =	strace $0xD0000000  }
0x3: {  	_ = 	snop  }
0x4: {  	_ = 	snop  }
0x5: {  	_ = 	snop  }
0x6: {  	_ = 	snop  }
0x7: {  	_ = 	snop  }
__scs_overlays_trampoline_lowered:
0x8: {  	[smem:$0x3FA3] =	sst s0  }
0x9: {  	[smem:$0x3FA4] =	sst s1  }
0xa: {  	[smem:$0x3FA5] =	sst s2  }
0xb: {  	[smem:$0x3FA6] =	sst s3  }
0xc: {  	[smem:$0x3FA7] =	sst s4  }
0xd: {  	[smem:$0x3FA8] =	sst s5  }
0xe: {  	[smem:$0x3FA9] =	sst s6  }
0xf: {  	[smem:$0x3FAA] =	sst s7  }
0x10: {  	[smem:$0x3FAB] =	sst s8  }
0x11: {  	[smem:$0x3FAC] =	sst s9;
	s0 =	simm.s32 @!p0 $0x0  }
0x12: {  	s1 =	sld [smem:$0x3F92];
	s0 =	simm.s32 @p0 $0x1  }
0x13: {  	[smem:$0x3FAD] =	sst s0;
	s0 =	simm.s32 @!p1 $0x0  }
0x14: {  	s2 =	sld [smem:$0x3F91];
	s0 =	simm.s32 @p1 $0x1  }
0x15: {  	[smem:$0x3FAE] =	sst s0;
	s0 =	simm.s32 @!p2 $0x0  }
0x16: {  	s3 =	sld [smem:$0x3FDB];
	s0 =	simm.s32 @p2 $0x1  }
0x17: {  	s4 =	simm.s32 $0x1BF5;
	[smem:$0x3FB0] =	sst s0  }
0x18: {  	s0 =	sld [smem:$0x3F93];
	_ =	swait.ge [sflag:s4], $0x0  }
0x19: {  	s7 =	sld [smem:$0x3F94]  }
0x1a: {  	s8 =	sadd.s32 $0xFFFFE003, lr  }
0x1b: {  	s9 =	sadd.s32 $0xFFFFFEF7, lr;
	s5 =	simm.s32 $0xFFFFFFFF;
	p2 =	slt.u32 s8, $0xFFFFF086  }
0x1c: {  	p1 =	slt.u32 s9, $0xF7A;
	s5 =	simm.s32 @!p2 $0x0  }
0x1d: {  	s5 =	simm.s32 @p1 $0x1;
	p0 =	seq.s32 s7, s2  }
0x1e: {  	s7 =	smul.u32 @!p0 $0xF7A, s2;
	p2 =	seq.s32 @!p0 s5, $0x0  }
0x1f: {  	s9 =	smul.u32 $0xF7A, s1;
	s8 =	simm.s32 @!p0 $0x1BF5;
	p2 =	por !p2, p0  }
0x20: {  	[sflag:s8] =	ssyncset.s32 @!p0 $0xFFFFF086;
	s6 =	sadd.s32 @!p0 s3, s7;
	s7 =	simm.s32 @!p0 $0x108  }
0x21: {  	s3 =	sadd.s32 s3, s9;
	s6 =	sadd.s32 @!p0 $0x88, s6;
	s7 =	simm.s32 @p2 $0x1082  }
0x22: {  	[simem:s7], [sflag:s8] =	dma.local @!p0 [hbm:s6], $0xF7A  }
0x23: {  	s9 =	sor.u32 $0xD0000000, s2;
	s6 =	simm.s32 $0x108;
	_ =	swait.ge @!p0 [sflag:s8], $0x0  }
0x24: {  	s3 =	sadd.s32 $0x88, s3;
	s6 =	simm.s32 @!p1 $0x1082;
	[sflag:s4] =	ssyncset.s32 $0xFFFFF086  }
0x25: {  	[simem:s6], [sflag:s4] =	dma.local [hbm:s3], $0xF7A  }
0x26: {  	[smem:$0x3F94] =	sst s1;
	(tag) =	ssettag s2;
	_ =	strace s9  }
0x27: {  	s1 =	sld [smem:$0x3FA4]  }
0x28: {  	s2 =	sld [smem:$0x3FA5]  }
0x29: {  	s4 =	sld [smem:$0x3FA7]  }
0x2a: {  	p0 =	seq.s32 s5, $0x0;
	s5 =	sld [smem:$0x3FA8]  }
0x2b: {  	s6 =	sld [smem:$0x3FA9]  }
0x2c: {  	s7 =	sld [smem:$0x3FAA]  }
0x2d: {  	s3 =	simm.s32 $0x108;
	s8 =	sld [smem:$0x3FAB]  }
0x2e: {  	s3 =	simm.s32 @!p0 $0x1082;
	s9 =	sld [smem:$0x3FAC]  }
0x2f: {  	lr =	sadd.s32 s0, s3;
	s0 =	sld [smem:$0x3FA3]  }
0x30: {  	s3 =	sld [smem:$0x3FA6]  }
0x31: {  	[smem:$0x3FAF] =	sst s10  }
0x32: {  	s10 =	sld [smem:$0x3FAD];
	_ =	sdelay $0x3  }
0x33: {  	p0 =	seq.s32 s10, $0x1;
	s10 =	sld [smem:$0x3FAF];
	_ =	sdelay $0x3  }
0x34: {  	[smem:$0x3FAF] =	sst s10  }
0x35: {  	s10 =	sld [smem:$0x3FAE];
	_ =	sdelay $0x3  }
0x36: {  	p1 =	seq.s32 s10, $0x1;
	s10 =	sld [smem:$0x3FAF];
	_ =	sdelay $0x3  }
0x37: {  	[smem:$0x3FAF] =	sst s10  }
0x38: {  	s10 =	sld [smem:$0x3FB0]  }
0x39: {  	_ = 	snop;
	(pc) =	sbr.ind lr, $3  }
0x3a: {  	_ = 	snop  }
0x3b: {  	_ = 	snop  }
0x3c: {  	p2 =	seq.s32 s10, $0x1;
	s10 =	sld [smem:$0x3FAF]  }
0x3d: {  	_ =	shalt  }
0x3e: {  	_ =	shalt  }
0x3f: {  	_ =	shalt  }
0x40: {  	_ =	shalt  }
0x41: {  	_ =	shalt  }
0x42: {  	_ =	shalt  }
0x43: {  	_ =	shalt  }
0x44: {  	_ =	shalt  }
0x45: {  	_ =	shalt  }
0x46: {  	_ =	shalt  }
0x47: {  	_ =	shalt  }
0x48: {  	_ =	shalt  }
0x49: {  	_ =	shalt  }
0x4a: {  	_ =	shalt  }
0x4b: {  	_ =	shalt  }
0x4c: {  	_ =	shalt  }
0x4d: {  	_ =	shalt  }
0x4e: {  	_ =	shalt  }
0x4f: {  	_ =	shalt  }
0x50: {  	_ =	shalt  }
0x51: {  	_ =	shalt  }
0x52: {  	_ =	shalt  }
0x53: {  	_ =	shalt  }
0x54: {  	_ =	shalt  }
0x55: {  	_ =	shalt  }
0x56: {  	_ =	shalt  }
0x57: {  	_ =	shalt  }
0x58: {  	_ =	shalt  }
0x59: {  	_ =	shalt  }
0x5a: {  	_ =	shalt  }
0x5b: {  	_ =	shalt  }
0x5c: {  	_ =	shalt  }
0x5d: {  	_ =	shalt  }
0x5e: {  	_ =	shalt  }
0x5f: {  	_ =	shalt  }
0x60: {  	_ =	shalt  }
0x61: {  	_ =	shalt  }
0x62: {  	_ =	shalt  }
0x63: {  	_ =	shalt  }
0x64: {  	_ =	shalt  }
0x65: {  	_ =	shalt  }
0x66: {  	_ =	shalt  }
0x67: {  	_ =	shalt  }
0x68: {  	_ =	shalt  }
0x69: {  	_ =	shalt  }
0x6a: {  	_ =	shalt  }
0x6b: {  	_ =	shalt  }
0x6c: {  	_ =	shalt  }
0x6d: {  	_ =	shalt  }
0x6e: {  	_ =	shalt  }
0x6f: {  	_ =	shalt  }
0x70: {  	_ =	shalt  }
0x71: {  	_ =	shalt  }
0x72: {  	_ =	shalt  }
0x73: {  	_ =	shalt  }
0x74: {  	_ =	shalt  }
0x75: {  	_ =	shalt  }
0x76: {  	_ =	shalt  }
0x77: {  	_ =	shalt  }
0x78: {  	_ =	shalt  }
0x79: {  	_ =	shalt  }
0x7a: {  	_ =	shalt  }
0x7b: {  	_ =	shalt  }
0x7c: {  	_ =	shalt  }
0x7d: {  	_ =	shalt  }
0x7e: {  	_ =	shalt  }
0x7f: {  	_ =	shalt  }
0x80: {  	_ =	shalt  }
0x81: {  	_ =	shalt  }
0x82: {  	_ =	shalt  }
0x83: {  	_ =	shalt  }
0x84: {  	_ =	shalt  }
0x85: {  	_ =	shalt  }
0x86: {  	_ =	shalt  }
0x87: {  	_ =	shalt  }
.Lfunc_end0:
.L_simem_size_0:
called_computation_lowered:
.L_overlay_start_0:
0x88: {  	s2 =	sld [smem:$0x3FD9]  }
0x89: {  	s3 =	sld [smem:$0x3FFE];
	_ =	sdelay $0x1  }
0x8a: {  	s1 =	srdreg.scid  }
0x8b: {  	s0 =	sand.u32 $0x1, s1  }
0x8c: {  	s16 =	sshll.u32 s0, $0xA;
	s2 =	sadd.s32 s3, s2  }
0x8d: {  	s2 =	sadd.s32 s2, s16  }
0x8e: {  	[smem:$0x3FBB] =	sst s2  }
0x8f: {  	_ = 	snop  }
0x90: {  	(tm) =	ssettm $0x1  }
0x91: {  	s17 =	sld [smem:$0x3FFB];
	_ =	sdelay $0x3  }
0x92: {  	_ =	strace s17  }
0x93: {  	s2 =	sld [smem:$0x3FFC];
	_ =	sdelay $0x3  }
0x94: {  	_ =	strace s2  }
0x95: {  	s2 =	sld [smem:$0x3FFD];
	_ =	sdelay $0x3  }
0x96: {  	_ =	strace s2  }
0x97: {  	_ =	strace $0x8FFFFFFF  }
0x98: {  	s18 =	sld [smem:$0x3FDB];
	_ =	sdelay $0x1  }
0x99: {  	s19 =	simm.s32 $_scs_section_size  }
0x9a: {  	s4 =	simm.s32 $_size__tile_overlayer_lowered;
	s5 =	simm.s32 $_tile_overlayer_lowered  }
0x9b: {  	s22 =	simm.s32 $0x1BFF;
	s21 =	sshll.u32 s5, $0x1;
	s2 =	sadd.s32 s19, s18  }
0x9c: {  	s6 =	simm.s32 $0x0;
	s20 =	sshll.u32 s4, $0x1;
	s4 =	sadd.s32 s21, s2  }
0x9d: {  	[timem:s6], [sflag:s22] =	dma.local [hbm:s4], s20  }
0x9e: {  	_ =	swait.ge [sflag:s22], s20  }
0x9f: {  	s3 =	ssub.s32 $0x0, s20;
	[sflag:s22] =	ssyncset.done $0x0  }
0xa0: {  	[sflag:s22] =	ssyncadd.s32 s3;
	_ =	sdelay $0x1  }
0xa1: {  	s23 =	simm.s32 $0x1B8B  }
0xa2: {  	_ =	swait.ge [sflag:s23], $0x1  }
0xa3: {  	[sflag:s23] =	ssyncset.done $0x0  }
0xa4: {  	s25 =	simm.s32 $0x1B8E;
	s24 =	sld [smem:$0x3FFE];
	[sflag:s23] =	ssyncadd.s32 $0xFFFFFFFF  }
0xa5: {  	s26 =	simm.s32 $execute0_lowered;
	[smem:$0x3FD2] =	sst s25  }
0xa6: {  	s4 =	sshll.u32 s26, $0x1;
	_ =	strace $0x80000046;
	[dreg:$0x1] =	wrdreg $0xFFFFFFFF  }
0xa7: {  	s28 =	simm.s32 $_size_execute0_lowered;
	s2 =	sadd.s32 s2, s4;
	[dreg:$0x0] =	wrdreg $0x0  }
0xa8: {  	s4 =	sshll.u32 s28, $0x1;
	[dreg:$0x2] =	wrdreg s2  }
0xa9: {  	[dreg:$0x3] =	wrdreg s4  }
0xaa: {  	[dreg:$0x4] =	wrdreg $0xC0  }
0xab: {  	_ =	task [dreg:s6], $0x5FFFF  }
0xac: {  	[dreg:$0x1] =	wrdreg $0xFFFFFFFF  }
0xad: {  	[dreg:$0x0] =	wrdreg $0x60  }
0xae: {  	[dreg:$0x2] =	wrdreg s24  }
0xaf: {  	[dreg:$0x3] =	wrdreg $0x80200  }
0xb0: {  	[dreg:$0x4] =	wrdreg $0xCE600  }
0xb1: {  	[dreg:$0x5] =	wrdreg $0x9  }
0xb2: {  	_ =	task.clear_ibuf [dreg:s6], $0x6FFFF;
	_ =	strace $0x90000046  }
0xb3: {  	s29 =	simm.s32 $0x9;
	_ =	strace $0x80000048  }
0xb4: {  	_ =	swait.ge [sflag:s29], $0x1  }
0xb5: {  	[sflag:s29] =	ssyncadd.s32 $0xFFFFFFFF  }
0xb6: {  	_ =	strace $0x90000048  }
0xb7: {  	_ =	sfence  }
0xb8: {  	s30 =	sld [smem:$0x0];
	_ =	sdelay $0x2  }
0xb9: {  	s31 =	sshll.u32 s1, $0xD;
	s1 =	sshrl.u32 s1, $0x2  }
0xba: {  	s3 =	sand.u32 $0x4000, s31;
	s1 =	sadd.s32 s1, s30  }
0xbb: {  	s0 =	sor.u32 s3, s0;
	s1 =	sshll.u32 s1, $0x11  }
0xbc: {  	s0 =	sor.u32 s1, s0  }
0xbd: {  	s0 =	sadd.s32 $0x8F2B, s0  }
0xbe: {  	[sflag:s0] =	ssyncadd.remote.s32 $0x1  }
0xbf: {  	_ =	sfence.sel $0xFFFF  }
0xc0: {  	[dreg:$0x0] =	wrdreg $0xFFFFFFFF;
	(pc) =	sbr.abs _section_cstart, $3  }
0xc1: {  	[dreg:$0x1] =	wrdreg $0xFFFFFFFF  }
0xc2: {  	_ =	task.clear_ibuf [dreg:s6], $0x2FFFF;
	_ =	strace $0x9FFFFFFF  }
0xc3: {  	(tm) =	ssettm $0x7FFFFFFF  }
tec
execute0_lowered:
.L_overlay_start_1:
0x0: {  	(tag) =	ssettag $0x1  }
0x1: {  	s1 =	rddreg [dreg:$0x0]  }
0x2: {  	s0 =	rddreg [dreg:$0x1]  }
0x3: {  	s3 =	srdreg.scid;
	s4 =	stileid.u32  }
0x4: {  	s2 =	rddreg [dreg:$0x2];
	s12 =	simm.s32 $0xB;
	s13 =	simm.s32 $0x2710  }
0x5: {  	s14 =	simm.s32 $0x50;
	s15 =	simm.s32 $0x4E20;
	s16 =	simm.s32 $0x5820  }
0x6: {  	s18 =	simm.s32 $0x6220;
	s20 =	simm.s32 $0x6C20;
	s22 =	simm.s32 $0x7620  }
0x7: {  	s29 =	simm.s32 $0x7;
	s31 =	simm.s32 $0x3;
	s11 =	simm.s32 $0x8  }
0x8: {  	s17 =	simm.s32 $0x9;
	s21 =	simm.s32 $0x5;
	s28 =	simm.s32 $0xA  }
0x9: {  	s30 =	simm.s32 $0x26C0;
	s5 =	sand.u32 $0x1, s3;
	s6 =	sshll.u32 s4, $0x1  }
0xa: {  	s3 =	simm.s32 $0x0;
	s7 =	sadd.s32 $0x16800, s1;
	s24 =	sadd.s32 $0x20600, s1  }
0xb: {  	p0 =	seq.s32 s4, $0x1;
	s26 =	sshrl.u32 s2, $0x3;
	p1 =	sne.s32 s4, $0x0  }
0xc: {  	s6 =	sor.u32 s5, s6;
	[smem:$0x7FF] =	sst s3;
	s23 =	smul.u32 $0x9C80, s5  }
0xd: {  	s5 =	ssub.s32 $0x2, s5;
	_ =	strace $0x80000047;
	[dreg:$0x4] =	wrdreg s7  }
0xe: {  	s6 =	smul.u32 $0x2710, s6;
	[dreg:$0x5] =	wrdreg s24;
	s25 =	sshrl.u32 s5, $0x1  }
0xf: {  	[dreg:$0x6] =	wrdreg s26;
	s24 =	simm.s32 $0x6;
	s26 =	simm.s32 $0x2  }
0x10: {  	s5 =	ssub.s32 s5, s25;
	s25 =	simm.s32 $0x2850;
	s6 =	sshrl.u32 s6, $0x3  }
0x11: {  	s9 =	smax.u32 s5, $0x1;
	s5 =	simm.s32 $0x4;
	s8 =	sadd.s32 s6, s1  }
0x12: {  	s1 =	sadd.s32 s23, s1;
	s23 =	simm.s32 $0x1;
	s6 =	sadd.s32 $0x2E00, s8  }
0x13: {  	s7 =	sadd.s32 $0xCA40, s8;
	s8 =	sadd.s32 $0x2A400, s1;
	s1 =	simm.s32 $0x4DD0  }
.LBB2_1:
.Ltmp0:
0x14: {  	(pc) =	sbr.rel @p0 .LBB2_4-.Ltmp0, $1  }
0x15: {  	_ =	sdelay $0x3  }
.Ltmp1:
0x16: {  	(pc) =	sbr.rel @p1 .LBB2_6-.Ltmp1, $1  }
0x17: {  	_ =	sdelay $0x3  }
.Ltmp2:
0x18: {  	(pc) =	sbr.rel .LBB2_5-.Ltmp2, $3  }
0x19: {  	_ =	sdelay $0x1  }
0x1a: {  	s4 =	sshrl.u32 s0, $0x3;
	s10 =	rddreg [dreg:$0x5];
	s19 =	simm.s32 $0x1C0B  }
0x1b: {  	[spmem:s4], [sflag:s19] =	dma.local [hbm:s10], $0x9C80  }
.LBB2_4:
0x1c: {  	s4 =	rddreg [dreg:$0x4]  }
0x1d: {  	s10 =	rddreg [dreg:$0x6];
	s19 =	simm.s32 $0x1C4B  }
0x1e: {  	[spmem:s10], [sflag:s19] =	dma.local [hbm:s4], $0x9C80  }
.LBB2_5:
0x1f: {  	_ =	swait.ge [sflag:s12], $0x9C80  }
0x20: {  	[sflag:s12] =	ssyncset.done $0x0  }
0x21: {  	[sflag:s12] =	ssyncadd.s32 $0xFFFF6380  }
.LBB2_6:
0x22: {  	[bflag:$0x0] =	sbarrier.arrive $0xFFFF;
	s4 =	simm.s32 $0x0  }
0x23: {  	[tilespmem:s4], [sflag:$0xB] =	stream.linear.gather [hbm4b:s6+s4], $0x2710, $0x38;
	[tilespmem:$0x11CA0] =	vst v63  }
0x24: {  	_ =	swait.ge [sflag:s12], $0x2710  }
0x25: {  	[sflag:s12] =	ssyncset.done $0x0  }
0x26: {  	[sflag:s12] =	ssyncadd.s32 $0xFFFFD8F0  }
0x27: {  	[tilespmem:s13], [sflag:$0xB] =	stream.linear.gather [hbm4b:s7+s4], $0x2710, $0x38;
	[tilespmem:$0x11CA0] =	vst v63  }
0x28: {  	_ =	swait.ge [sflag:s12], $0x2710  }
0x29: {  	[sflag:s12] =	ssyncset.done $0x0  }
0x2a: {  	[sflag:s12] =	ssyncadd.s32 $0xFFFFD8F0  }
0x2b: {  	[tilespmem:s15], [sflag:$0x1] =	stream.indirect.gather [spmem:s2], $0x20, s4, s14, $0xb8;
	[tilespmem:$0x11CA0] =	vst v63  }
0x2c: {  	_ = 	snop  }
0x2d: {  	[tilespmem:s16], [sflag:$0x2] =	stream.indirect.gather [spmem:s2], $0x20, s14, s14, $0xb8;
	[tilespmem:$0x11CA0] =	vst v63  }
0x2e: {  	s19 =	simm.s32 $0xA0  }
0x2f: {  	[tilespmem:s18], [sflag:$0x3] =	stream.indirect.gather [spmem:s2], $0x20, s19, s14, $0xb8;
	[tilespmem:$0x11CA0] =	vst v63  }
0x30: {  	s10 =	simm.s32 $0xF0  }
0x31: {  	[tilespmem:s20], [sflag:$0x4] =	stream.indirect.gather [spmem:s2], $0x20, s10, s14, $0xb8;
	[tilespmem:$0x11CA0] =	vst v63  }
0x32: {  	s19 =	simm.s32 $0x140  }
0x33: {  	[tilespmem:s22], [sflag:$0x5] =	stream.indirect.gather [spmem:s2], $0x20, s19, s14, $0xb8;
	[tilespmem:$0x11CA0] =	vst v63  }
0x34: {  	_ =	swait.ge [sflag:s23], $0xA00  }
0x35: {  	[sflag:s23] =	ssyncset.done $0x0  }
0x36: {  	[sflag:s23] =	ssyncadd.s32 $0xFFFFF600  }
0x37: {  	[spmem:s0] =	stream.indirect.scatter.add.f32 [tilespmem:s15], [sflag:$0x6], $0x20, s13, s14, $0xb8;
	[tilespmem:$0x11CA0] =	vst v63  }
0x38: {  	_ =	swait.ge [sflag:s24], $0xA00  }
0x39: {  	[sflag:s24] =	ssyncset.done $0x0  }
0x3a: {  	s10 =	simm.s32 $0x190;
	[sflag:s24] =	ssyncadd.s32 $0xFFFFF600  }
0x3b: {  	[tilespmem:s15], [sflag:$0x1] =	stream.indirect.gather [spmem:s2], $0x20, s10, s14, $0xb8;
	[tilespmem:$0x11CA0] =	vst v63  }
0x3c: {  	_ =	swait.ge [sflag:s26], $0xA00  }
0x3d: {  	[sflag:s26] =	ssyncset.done $0x0  }
0x3e: {  	s19 =	simm.s32 $0x2760;
	[sflag:s26] =	ssyncadd.s32 $0xFFFFF600  }
0x3f: {  	[spmem:s0] =	stream.indirect.scatter.add.f32 [tilespmem:s16], [sflag:$0x7], $0x20, s19, s14, $0xb8;
	[tilespmem:$0x11CA0] =	vst v63  }
0x40: {  	_ =	swait.ge [sflag:s29], $0xA00  }
0x41: {  	[sflag:s29] =	ssyncset.done $0x0  }
0x42: {  	s10 =	simm.s32 $0x1E0;
	[sflag:s29] =	ssyncadd.s32 $0xFFFFF600  }
0x43: {  	[tilespmem:s16], [sflag:$0x2] =	stream.indirect.gather [spmem:s2], $0x20, s10, s14, $0xb8;
	[tilespmem:$0x11CA0] =	vst v63  }
0x44: {  	_ =	swait.ge [sflag:s31], $0xA00  }
0x45: {  	[sflag:s31] =	ssyncset.done $0x0  }
0x46: {  	s19 =	simm.s32 $0x27B0;
	[sflag:s31] =	ssyncadd.s32 $0xFFFFF600  }
0x47: {  	[spmem:s0] =	stream.indirect.scatter.add.f32 [tilespmem:s18], [sflag:$0x8], $0x20, s19, s14, $0xb8;
	[tilespmem:$0x11CA0] =	vst v63  }
0x48: {  	_ =	swait.ge [sflag:s11], $0xA00  }
0x49: {  	[sflag:s11] =	ssyncset.done $0x0  }
0x4a: {  	s10 =	simm.s32 $0x230;
	[sflag:s11] =	ssyncadd.s32 $0xFFFFF600  }
0x4b: {  	[tilespmem:s18], [sflag:$0x3] =	stream.indirect.gather [spmem:s2], $0x20, s10, s14, $0xb8;
	[tilespmem:$0x11CA0] =	vst v63  }
0x4c: {  	_ =	swait.ge [sflag:s5], $0xA00  }
0x4d: {  	[sflag:s5] =	ssyncset.done $0x0  }
0x4e: {  	s19 =	simm.s32 $0x2800;
	[sflag:s5] =	ssyncadd.s32 $0xFFFFF600  }
0x4f: {  	[spmem:s0] =	stream.indirect.scatter.add.f32 [tilespmem:s20], [sflag:$0x9], $0x20, s19, s14, $0xb8;
	[tilespmem:$0x11CA0] =	vst v63  }
0x50: {  	_ =	swait.ge [sflag:s17], $0xA00  }
0x51: {  	[sflag:s17] =	ssyncset.done $0x0  }
0x52: {  	s10 =	simm.s32 $0x280;
	[sflag:s17] =	ssyncadd.s32 $0xFFFFF600  }
0x53: {  	[tilespmem:s20], [sflag:$0x4] =	stream.indirect.gather [spmem:s2], $0x20, s10, s14, $0xb8;
	[tilespmem:$0x11CA0] =	vst v63  }
0x54: {  	_ =	swait.ge [sflag:s21], $0xA00  }
0x55: {  	[sflag:s21] =	ssyncset.done $0x0  }
0x56: {  	[sflag:s21] =	ssyncadd.s32 $0xFFFFF600  }
0x57: {  	[spmem:s0] =	stream.indirect.scatter.add.f32 [tilespmem:s22], [sflag:$0xA], $0x20, s25, s14, $0xb8;
	[tilespmem:$0x11CA0] =	vst v63  }
0x58: {  	_ =	swait.ge [sflag:s28], $0xA00  }
0x59: {  	[sflag:s28] =	ssyncset.done $0x0  }
0x5a: {  	s19 =	simm.s32 $0x2D0;
	[sflag:s28] =	ssyncadd.s32 $0xFFFFF600  }
0x5b: {  	[tilespmem:s22], [sflag:$0x5] =	stream.indirect.gather [spmem:s2], $0x20, s19, s14, $0xb8;
	[tilespmem:$0x11CA0] =	vst v63  }
0x5c: {  	_ =	swait.ge [sflag:s23], $0xA00  }
0x5d: {  	[sflag:s23] =	ssyncset.done $0x0  }
0x5e: {  	s10 =	simm.s32 $0x28A0;
	[sflag:s23] =	ssyncadd.s32 $0xFFFFF600  }
0x5f: {  	[spmem:s0] =	stream.indirect.scatter.add.f32 [tilespmem:s15], [sflag:$0x6], $0x20, s10, s14, $0xb8;
	[tilespmem:$0x11CA0] =	vst v63  }
0x60: {  	_ =	swait.ge [sflag:s24], $0xA00  }
0x61: {  	[sflag:s24] =	ssyncset.done $0x0  }
0x62: {  	s19 =	simm.s32 $0x320;
	[sflag:s24] =	ssyncadd.s32 $0xFFFFF600  }
0x63: {  	[tilespmem:s15], [sflag:$0x1] =	stream.indirect.gather [spmem:s2], $0x20, s19, s14, $0xb8;
	[tilespmem:$0x11CA0] =	vst v63  }
0x64: {  	_ =	swait.ge [sflag:s26], $0xA00  }
0x65: {  	[sflag:s26] =	ssyncset.done $0x0  }
0x66: {  	s10 =	simm.s32 $0x28F0;
	[sflag:s26] =	ssyncadd.s32 $0xFFFFF600  }
0x67: {  	[spmem:s0] =	stream.indirect.scatter.add.f32 [tilespmem:s16], [sflag:$0x7], $0x20, s10, s14, $0xb8;
	[tilespmem:$0x11CA0] =	vst v63  }
0x68: {  	_ =	swait.ge [sflag:s29], $0xA00  }
0x69: {  	[sflag:s29] =	ssyncset.done $0x0  }
0x6a: {  	s19 =	simm.s32 $0x370;
	[sflag:s29] =	ssyncadd.s32 $0xFFFFF600  }
0x6b: {  	[tilespmem:s16], [sflag:$0x2] =	stream.indirect.gather [spmem:s2], $0x20, s19, s14, $0xb8;
	[tilespmem:$0x11CA0] =	vst v63  }
0x6c: {  	_ =	swait.ge [sflag:s31], $0xA00  }
0x6d: {  	[sflag:s31] =	ssyncset.done $0x0  }
0x6e: {  	s10 =	simm.s32 $0x2940;
	[sflag:s31] =	ssyncadd.s32 $0xFFFFF600  }
0x6f: {  	[spmem:s0] =	stream.indirect.scatter.add.f32 [tilespmem:s18], [sflag:$0x8], $0x20, s10, s14, $0xb8;
	[tilespmem:$0x11CA0] =	vst v63  }
0x70: {  	_ =	swait.ge [sflag:s11], $0xA00  }
0x71: {  	[sflag:s11] =	ssyncset.done $0x0  }
0x72: {  	s19 =	simm.s32 $0x3C0;
	[sflag:s11] =	ssyncadd.s32 $0xFFFFF600  }
0x73: {  	[tilespmem:s18], [sflag:$0x3] =	stream.indirect.gather [spmem:s2], $0x20, s19, s14, $0xb8;
	[tilespmem:$0x11CA0] =	vst v63  }
0x74: {  	_ =	swait.ge [sflag:s5], $0xA00  }
0x75: {  	[sflag:s5] =	ssyncset.done $0x0  }
0x76: {  	s10 =	simm.s32 $0x2990;
	[sflag:s5] =	ssyncadd.s32 $0xFFFFF600  }
0x77: {  	[spmem:s0] =	stream.indirect.scatter.add.f32 [tilespmem:s20], [sflag:$0x9], $0x20, s10, s14, $0xb8;
	[tilespmem:$0x11CA0] =	vst v63  }
0x78: {  	_ =	swait.ge [sflag:s17], $0xA00  }
0x79: {  	[sflag:s17] =	ssyncset.done $0x0  }
0x7a: {  	s19 =	simm.s32 $0x410;
	[sflag:s17] =	ssyncadd.s32 $0xFFFFF600  }
0x7b: {  	[tilespmem:s20], [sflag:$0x4] =	stream.indirect.gather [spmem:s2], $0x20, s19, s14, $0xb8;
	[tilespmem:$0x11CA0] =	vst v63  }
0x7c: {  	_ =	swait.ge [sflag:s21], $0xA00  }
0x7d: {  	[sflag:s21] =	ssyncset.done $0x0  }
0x7e: {  	s4 =	simm.s32 $0x640;
	s10 =	simm.s32 $0x29E0;
	[sflag:s21] =	ssyncadd.s32 $0xFFFFF600  }
.LBB2_7:
0x7f: {  	[spmem:s0] =	stream.indirect.scatter.add.f32 [tilespmem:s22], [sflag:$0xA], $0x20, s10, s14, $0xb8;
	[tilespmem:$0x11CA0] =	vst v63  }
0x80: {  	s10 =	smov.u32 s4;
	s4 =	sadd.s32 $0x640, s4;
	_ =	swait.ge [sflag:s28], $0xA00  }
0x81: {  	s10 =	sshra.s32 s10, $0x2;
	p2 =	sne.s32 s4, $0x8FC0;
	[sflag:s28] =	ssyncset.done $0x0  }
0x82: {  	s19 =	sadd.s32 $0x2D0, s10;
	[sflag:s28] =	ssyncadd.s32 $0xFFFFF600  }
0x83: {  	[tilespmem:s22], [sflag:$0x5] =	stream.indirect.gather [spmem:s2], $0x20, s19, s14, $0xb8;
	[tilespmem:$0x11CA0] =	vst v63  }
0x84: {  	_ =	swait.ge [sflag:s23], $0xA00  }
0x85: {  	[sflag:s23] =	ssyncset.done $0x0  }
0x86: {  	s19 =	sadd.s32 $0x28A0, s10;
	[sflag:s23] =	ssyncadd.s32 $0xFFFFF600  }
0x87: {  	[spmem:s0] =	stream.indirect.scatter.add.f32 [tilespmem:s15], [sflag:$0x6], $0x20, s19, s14, $0xb8;
	[tilespmem:$0x11CA0] =	vst v63  }
0x88: {  	_ =	swait.ge [sflag:s24], $0xA00  }
0x89: {  	[sflag:s24] =	ssyncset.done $0x0  }
0x8a: {  	s19 =	sadd.s32 $0x320, s10;
	[sflag:s24] =	ssyncadd.s32 $0xFFFFF600  }
0x8b: {  	[tilespmem:s15], [sflag:$0x1] =	stream.indirect.gather [spmem:s2], $0x20, s19, s14, $0xb8;
	[tilespmem:$0x11CA0] =	vst v63  }
0x8c: {  	_ =	swait.ge [sflag:s26], $0xA00  }
0x8d: {  	[sflag:s26] =	ssyncset.done $0x0  }
0x8e: {  	s19 =	sadd.s32 $0x28F0, s10;
	[sflag:s26] =	ssyncadd.s32 $0xFFFFF600  }
0x8f: {  	[spmem:s0] =	stream.indirect.scatter.add.f32 [tilespmem:s16], [sflag:$0x7], $0x20, s19, s14, $0xb8;
	[tilespmem:$0x11CA0] =	vst v63  }
0x90: {  	_ =	swait.ge [sflag:s29], $0xA00  }
0x91: {  	[sflag:s29] =	ssyncset.done $0x0  }
0x92: {  	s19 =	sadd.s32 $0x370, s10;
	[sflag:s29] =	ssyncadd.s32 $0xFFFFF600  }
0x93: {  	[tilespmem:s16], [sflag:$0x2] =	stream.indirect.gather [spmem:s2], $0x20, s19, s14, $0xb8;
	[tilespmem:$0x11CA0] =	vst v63  }
0x94: {  	_ =	swait.ge [sflag:s31], $0xA00  }
0x95: {  	[sflag:s31] =	ssyncset.done $0x0  }
0x96: {  	s19 =	sadd.s32 $0x2940, s10;
	[sflag:s31] =	ssyncadd.s32 $0xFFFFF600  }
0x97: {  	[spmem:s0] =	stream.indirect.scatter.add.f32 [tilespmem:s18], [sflag:$0x8], $0x20, s19, s14, $0xb8;
	[tilespmem:$0x11CA0] =	vst v63  }
0x98: {  	_ =	swait.ge [sflag:s11], $0xA00  }
0x99: {  	[sflag:s11] =	ssyncset.done $0x0  }
0x9a: {  	s19 =	sadd.s32 $0x3C0, s10;
	[sflag:s11] =	ssyncadd.s32 $0xFFFFF600  }
0x9b: {  	[tilespmem:s18], [sflag:$0x3] =	stream.indirect.gather [spmem:s2], $0x20, s19, s14, $0xb8;
	[tilespmem:$0x11CA0] =	vst v63  }
0x9c: {  	_ =	swait.ge [sflag:s5], $0xA00  }
0x9d: {  	[sflag:s5] =	ssyncset.done $0x0  }
0x9e: {  	s19 =	sadd.s32 $0x2990, s10;
	[sflag:s5] =	ssyncadd.s32 $0xFFFFF600  }
0x9f: {  	[spmem:s0] =	stream.indirect.scatter.add.f32 [tilespmem:s20], [sflag:$0x9], $0x20, s19, s14, $0xb8;
	[tilespmem:$0x11CA0] =	vst v63  }
0xa0: {  	_ =	swait.ge [sflag:s17], $0xA00  }
0xa1: {  	[sflag:s17] =	ssyncset.done $0x0  }
.Ltmp3:
0xa2: {  	s19 =	sadd.s32 $0x410, s10;
	[sflag:s17] =	ssyncadd.s32 $0xFFFFF600;
	(pc) =	sbr.rel @p2 .LBB2_7-.Ltmp3, $4  }
0xa3: {  	[tilespmem:s20], [sflag:$0x4] =	stream.indirect.gather [spmem:s2], $0x20, s19, s14, $0xb8;
	[tilespmem:$0x11CA0] =	vst v63  }
0xa4: {  	_ =	swait.ge [sflag:s21], $0xA00  }
0xa5: {  	[sflag:s21] =	ssyncset.done $0x0  }
0xa6: {  	s10 =	sadd.s32 $0x29E0, s10;
	[sflag:s21] =	ssyncadd.s32 $0xFFFFF600  }
0xa7: {  	[spmem:s0] =	stream.indirect.scatter.add.f32 [tilespmem:s22], [sflag:$0xA], $0x20, s10, s14, $0xb8;
	[tilespmem:$0x11CA0] =	vst v63  }
0xa8: {  	_ =	swait.ge [sflag:s28], $0xA00  }
0xa9: {  	[sflag:s28] =	ssyncset.done $0x0  }
0xaa: {  	[sflag:s28] =	ssyncadd.s32 $0xFFFFF600  }
0xab: {  	[tilespmem:s22], [sflag:$0x5] =	stream.indirect.gather [spmem:s2], $0x20, s30, s14, $0xb8;
	[tilespmem:$0x11CA0] =	vst v63  }
0xac: {  	_ =	swait.ge [sflag:s23], $0xA00  }
0xad: {  	s4 =	sshra.s32 s4, $0x2;
	[sflag:s23] =	ssyncset.done $0x0  }
0xae: {  	s19 =	sadd.s32 $0x28A0, s4;
	[sflag:s23] =	ssyncadd.s32 $0xFFFFF600  }
0xaf: {  	[spmem:s0] =	stream.indirect.scatter.add.f32 [tilespmem:s15], [sflag:$0x6], $0x20, s19, s14, $0xb8;
	[tilespmem:$0x11CA0] =	vst v63  }
0xb0: {  	_ =	swait.ge [sflag:s26], $0xA00  }
0xb1: {  	[sflag:s26] =	ssyncset.done $0x0  }
0xb2: {  	s19 =	sadd.s32 $0x28F0, s4;
	[sflag:s26] =	ssyncadd.s32 $0xFFFFF600  }
0xb3: {  	[spmem:s0] =	stream.indirect.scatter.add.f32 [tilespmem:s16], [sflag:$0x7], $0x20, s19, s14, $0xb8;
	[tilespmem:$0x11CA0] =	vst v63  }
0xb4: {  	_ =	swait.ge [sflag:s31], $0xA00  }
0xb5: {  	[sflag:s31] =	ssyncset.done $0x0  }
0xb6: {  	s19 =	sadd.s32 $0x2940, s4;
	[sflag:s31] =	ssyncadd.s32 $0xFFFFF600  }
0xb7: {  	[spmem:s0] =	stream.indirect.scatter.add.f32 [tilespmem:s18], [sflag:$0x8], $0x20, s19, s14, $0xb8;
	[tilespmem:$0x11CA0] =	vst v63  }
0xb8: {  	_ =	swait.ge [sflag:s5], $0xA00  }
0xb9: {  	[sflag:s5] =	ssyncset.done $0x0  }
0xba: {  	s4 =	sadd.s32 $0x2990, s4;
	[sflag:s5] =	ssyncadd.s32 $0xFFFFF600  }
0xbb: {  	[spmem:s0] =	stream.indirect.scatter.add.f32 [tilespmem:s20], [sflag:$0x9], $0x20, s4, s14, $0xb8;
	[tilespmem:$0x11CA0] =	vst v63  }
0xbc: {  	_ =	swait.ge [sflag:s21], $0xA00  }
0xbd: {  	[sflag:s21] =	ssyncset.done $0x0  }
0xbe: {  	[sflag:s21] =	ssyncadd.s32 $0xFFFFF600  }
0xbf: {  	[spmem:s0] =	stream.indirect.scatter.add.f32 [tilespmem:s22], [sflag:$0xA], $0x20, s1, s14, $0xb8;
	[tilespmem:$0x11CA0] =	vst v63  }
0xc0: {  	_ =	swait.ge [sflag:s24], $0xA00  }
0xc1: {  	[sflag:s24] =	ssyncset.done $0x0  }
0xc2: {  	[sflag:s24] =	ssyncadd.s32 $0xFFFFF600  }
0xc3: {  	_ =	swait.ge [sflag:s29], $0xA00  }
0xc4: {  	[sflag:s29] =	ssyncset.done $0x0  }
0xc5: {  	[sflag:s29] =	ssyncadd.s32 $0xFFFFF600  }
0xc6: {  	_ =	swait.ge [sflag:s11], $0xA00  }
0xc7: {  	[sflag:s11] =	ssyncset.done $0x0  }
0xc8: {  	[sflag:s11] =	ssyncadd.s32 $0xFFFFF600  }
0xc9: {  	_ =	swait.ge [sflag:s17], $0xA00  }
0xca: {  	[sflag:s17] =	ssyncset.done $0x0  }
0xcb: {  	[sflag:s17] =	ssyncadd.s32 $0xFFFFF600  }
0xcc: {  	_ =	swait.ge [sflag:s28], $0xA00  }
0xcd: {  	[sflag:s28] =	ssyncset.done $0x0  }
0xce: {  	s10 =	simm.s32 @!p1 $0x1C0B;
	s3 =	sadd.s32 $0x1, s3;
	[sflag:s28] =	ssyncadd.s32 $0xFFFFF600  }
0xcf: {  	p2 =	sne.s32 s3, s9;
	s4 =	sshrl.u32 @!p1 s0, $0x3;
	[bflag:$0x0] =	sbarrier.arrive $0xFFFF  }
0xd0: {  	[hbm:s8], [sflag:s10] =	dma.local @!p1 [spmem:s4], $0x9C80  }
.Ltmp4:
0xd1: {  	_ = 	snop;
	(pc) =	sbr.rel @p2 .LBB2_1-.Ltmp4, $4  }
0xd2: {  	s4 =	simm.s32 @!p1 $0xB  }
0xd3: {  	_ =	swait.ge @!p1 [sflag:s4], $0x9C80  }
0xd4: {  	[sflag:s4] =	ssyncset.done @!p1 $0x0  }
0xd5: {  	[sflag:s4] =	ssyncadd.s32 @!p1 $0xFFFF6380  }
0xd6: {  	_ =	sfence.sel $0x180000  }
0xd7: {  	[bflag:$0x0] =	sbarrier.arrive $0xFFFF  }
0xd8: {  	_ =	strace $0x90000047  }
0xd9: {  	[bflag:$0x2] =	sbarrier.arrive $0xFFFF  }
0xda: {  	s0 =	rddreg [dreg:$0x3]  }
0xdb: {  	s0 =	sadd.s32 @!p1 $0x100000, s0  }
0xdc: {  	[sflag:s0] =	ssyncadd.tile.s32 @!p1 $0x1;
	_ =	shalt  }
.Lfunc_end2:
_tile_overlayer_lowered:
.L_overlay_start_2:
0xdd: {  	(tag) =	ssettag $0x2  }
0xde: {  	s0 =	rddreg [dreg:$0x0];
	s2 =	stileid.u32  }
0xdf: {  	s1 =	rddreg [dreg:$0x1];
	p0 =	sne.s32 s2, $0x0  }
0xe0: {  	s3 =	rddreg [dreg:$0x2];
	[bflag:$0x3] =	sbarrier.arrive $0xFFFF;
	s2 =	simm.s32 @!p0 $0x1C0B  }
0xe1: {  	[timem:s3], [sflag:s2] =	dma.local @!p0 [hbm:s0], s1  }
0xe2: {  	s0 =	simm.s32 @!p0 $0xB  }
0xe3: {  	_ =	swait.ge @!p0 [sflag:s0], s1  }
0xe4: {  	s1 =	ssub.s32 @!p0 $0x0, s1;
	[sflag:s0] =	ssyncset.done @!p0 $0x0  }
0xe5: {  	[sflag:s0] =	ssyncadd.s32 @!p0 s1  }
0xe6: {  	[bflag:$0x3] =	sbarrier.arrive $0xFFFF  }
0xe7: {  	_ =	shalt  }

</sc_bundles>
